<compile_context>
chip_gen: v7x
topology: tpu7x:2x2x1
jax: 0.10.2.dev20260603
libtpu: 0.0.44.dev20260713+nightly
codegen_flags: <defaults>
</compile_context>

<pallas_src>
import functools

import numpy as np
import jax
import jax.numpy as jnp
from jax import lax
from jax.experimental import pallas as pl
from jax.experimental.pallas import tpu as pltpu
from jax.experimental.pallas import tpu_sc as plsc

_C, _H, _W, _B, _DIM = 3, 64, 64, 32, 64
_SEQ = _C * _H * _W
_KC = 128
_NCH = _SEQ // _KC
_LANES = 128


def _dest_perm() -> np.ndarray:
    diagonals = [[] for _ in range(_H + _W - 1)]
    for i in range(_H):
        for j in range(_W):
            s = i + j
            if s % 2 == 0:
                diagonals[s].insert(0, (i, j))
            else:
                diagonals[s].append((i, j))
    triples = []
    for diag in diagonals:
        for ij in diag:
            for c in range(_C):
                triples.append((c,) + ij)
    a = np.array(triples, dtype=np.int64)
    return ((a[:, 0] * _H + a[:, 1]) * _W + a[:, 2]).astype(np.int32)


def _scatter_rows() -> np.ndarray:
    d_of_k = _dest_perm()
    rows = np.arange(_B, dtype=np.int32)[:, None] * _SEQ + d_of_k[None, :]
    return rows.reshape(_B, _NCH, _KC)


_SCAT = _scatter_rows()


@functools.partial(
    pl.kernel,
    out_type=jax.ShapeDtypeStruct((_B * _SEQ, _LANES), jnp.float32),
    mesh=plsc.VectorSubcoreMesh(core_axis_name="c", subcore_axis_name="s"),
    scratch_types=[
        pltpu.VMEM((_NCH, _KC), jnp.int32),
        pltpu.VMEM((4, _DIM, _KC), jnp.float32),
        pltpu.VMEM((2, _KC, _LANES), jnp.float32),
        pltpu.SemaphoreType.DMA((4,)),
        pltpu.SemaphoreType.DMA((2,)),
    ],
    compiler_params=pltpu.CompilerParams(use_tc_tiling_on_sc=True, needs_layout_passes=False),
)
def _zigzag_scatter(xt_hbm, sidx_hbm, out_hbm, sidx_v, inb_v, stg_v, rsem, ssem):
    b = lax.axis_index("s") * 2 + lax.axis_index("c")

    pltpu.sync_copy(sidx_hbm.at[b], sidx_v)

    def read(kc, p):
        pltpu.async_copy(
            xt_hbm.at[b, :, pl.ds(kc * _KC, _KC)], inb_v.at[p], rsem.at[p]
        )

    def wait_read(p):
        pltpu.make_async_copy(
            xt_hbm.at[0, :, pl.ds(0, _KC)], inb_v.at[p], rsem.at[p]
        ).wait()

    def scatter(kc, p):
        pltpu.async_copy(stg_v.at[p], out_hbm.at[sidx_v.at[kc]], ssem.at[p])

    def drain_scatter(p):
        pltpu.make_async_copy(
            stg_v.at[p], out_hbm.at[pl.ds(0, _KC)], ssem.at[p]
        ).wait()

    lane = lax.iota(jnp.int32, 16)
    vrow = [lane + v0 for v0 in range(0, _DIM, 16)]
    jrow = [lane + j0 for j0 in range(0, _KC, 16)]

    def transpose2(pi, ps):
        inb = inb_v.at[pi]
        stg = stg_v.at[ps]

        @plsc.parallel_loop(0, _DIM, unroll=1)
        def _(i):
            spl = jnp.full((16,), 0, jnp.int32) + i
            for vi in range(_DIM // 16):
                vals = plsc.load_gather(inb, [vrow[vi], spl])
                stg[i, pl.ds(vi * 16, 16)] = vals
            for j16 in range(_KC // 32, _KC // 16):
                vals = inb[i, pl.ds(j16 * 16, 16)]
                plsc.store_scatter(stg, [jrow[j16], spl], vals)

    read(0, 0)
    read(1, 1)

    def body(g, carry):
        for q in range(4):
            kc = g * 4 + q
            ps = q % 2
            wait_read(q)

            if q < 2:
                read(kc + 2, (q + 2) % 4)

                @pl.when(g > 0)
                def _():
                    drain_scatter(ps)
            else:
                @pl.when(g < _NCH // 4 - 1)
                def _():
                    read(kc + 2, (q + 2) % 4)

                drain_scatter(ps)

            transpose2(q, ps)
            scatter(kc, ps)
        return carry

    lax.fori_loop(0, _NCH // 4, body, 0)

    for p in range(2):
        drain_scatter(p)


def kernel(x):
    xt = jnp.transpose(x, (1, 2, 0))
    out = _zigzag_scatter(xt, jnp.asarray(_SCAT))
    return (
        out.reshape(_B, _SEQ, _LANES)[:, :, :_DIM]
        .reshape(_B, _C, _H, _W, _DIM)
    )

# --- scband reference (transcript-rebuilt; emitter-appended) ---
"""Pipeline reference for scband-seq2-image-13898514170397 (READ-ONLY COPY).

The authoritative reference and input builder live on the scoring server;
editing this copy changes nothing except your own understanding.
"""

import jax, jax.numpy as jnp
import numpy as np

C, H, W, B, DIM = 3, 64, 64, 32, 64

def _prep_zigzag_cs(channels, height, width):
    diagonals = [[] for _ in range(height + width - 1)]
    for i in range(height):
        for j in range(width):
            s = i + j
            if s % 2 == 0:
                diagonals[s].insert(0, (i, j))
            else:
                diagonals[s].append((i, j))
    idx_list = []
    for d in diagonals:
        for idx in d:
            for c in range(channels):
                idx_list.append((c,) + idx)
    a = np.array(idx_list, dtype=np.int32)
    return a[:, 0], a[:, 1], a[:, 2]

IDX0, IDX1, IDX2 = _prep_zigzag_cs(C, H, W)

def setup_inputs(seed: int = 0) -> dict:
    key = jax.random.key(seed)
    x = jax.random.normal(key, (C * H * W, B, DIM), dtype=jnp.float32)
    return {"x": x}

def reference(x):
    # x: [seq_len=C*H*W, B, DIM] -> permute to [B, seq_len, DIM]
    xt = jnp.transpose(x, (1, 0, 2))
    # scatter tokens into image grid following zigzag_cs order
    y = jnp.zeros((xt.shape[0], C, H, W, xt.shape[-1]), dtype=xt.dtype)
    y = y.at[:, IDX0, IDX1, IDX2, :].set(xt)
    return y

if __name__ == "__main__":
    import jax
    _d = setup_inputs()
    print(jax.jit(kernel)(*tuple(_d.values())))

</pallas_src>

<mosaic_0001>
#map = affine_map<(d0, d1) -> (0, 0, 0)>
#map1 = affine_map<(d0, d1) -> (0, 0)>
module attributes {stable_mosaic.version = 14 : i64} {
  func.func @_zigzag_scatter(%arg0: i32, %arg1: i32, %arg2: memref<32x64x12288xf32, #tpu.memory_space<hbm>>, %arg3: memref<32x96x128xi32, #tpu.memory_space<hbm>>, %arg4: memref<393216x128xf32, #tpu.memory_space<hbm>>, %arg5: memref<96x128xi32, #tpu.memory_space<vmem>>, %arg6: memref<4x64x128xf32, #tpu.memory_space<vmem>>, %arg7: memref<2x128x128xf32, #tpu.memory_space<vmem>>, %arg8: memref<4x!tpu.dma_semaphore, #tpu.memory_space<semaphore_mem>>, %arg9: memref<2x!tpu.dma_semaphore, #tpu.memory_space<semaphore_mem>>) attributes {dimension_semantics = [#tpu.dimension_semantics<core_parallel>, #tpu.dimension_semantics<subcore_parallel>], iteration_bounds = array<i64: 2, 16>, scalar_prefetch = 0 : i64, scratch_operands = 5 : i64, tpu.core_type = #tpu.core_type<sc_vector_subcore>, window_params = [{transform_indices = #map}, {transform_indices = #map}, {transform_indices = #map1}]} {
    %mul3A = arith.constant 2 : i32
    %mul3A_0 = arith.muli %arg1, %mul3A : i32
    %add3A = arith.addi %mul3A_0, %arg0 : i32
    "tpu.region"() ({
      %run_scoped3A = tpu.sem_alloc : memref<!tpu.dma_semaphore, #tpu.memory_space<semaphore_mem>>
      %dma_start3A_116 = arith.constant 0 : i32
      %dma_start3A_117 = arith.constant 0 : i32
      %dma_start3A_118 = tpu.memref_slice %arg3[%add3A, %dma_start3A_116, %dma_start3A_117] : memref<32x96x128xi32, #tpu.memory_space<hbm>> -> memref<1x96x128xi32, #tpu.memory_space<hbm>>
      %dma_start3A_119 = tpu.memref_squeeze %dma_start3A_118 : memref<1x96x128xi32, #tpu.memory_space<hbm>> -> memref<96x128xi32, #tpu.memory_space<hbm>>
      %dma_start3A_120 = arith.constant 0 : i32
      %dma_start3A_121 = arith.constant 0 : i32
      %dma_start3A_122 = tpu.memref_slice %arg3[%add3A, %dma_start3A_120, %dma_start3A_121] : memref<32x96x128xi32, #tpu.memory_space<hbm>> -> memref<1x96x128xi32, #tpu.memory_space<hbm>>
      %dma_start3A_123 = tpu.memref_squeeze %dma_start3A_122 : memref<1x96x128xi32, #tpu.memory_space<hbm>> -> memref<96x128xi32, #tpu.memory_space<hbm>>
      tpu.enqueue_dma source(%dma_start3A_123 : memref<96x128xi32, #tpu.memory_space<hbm>>) target(%arg5 : memref<96x128xi32, #tpu.memory_space<vmem>>) target_semaphore(%run_scoped3A : memref<!tpu.dma_semaphore, #tpu.memory_space<semaphore_mem>>)
      %dma_wait3A_124 = arith.constant 0 : i32
      %dma_wait3A_125 = arith.constant 0 : i32
      %dma_wait3A_126 = tpu.memref_slice %arg3[%add3A, %dma_wait3A_124, %dma_wait3A_125] : memref<32x96x128xi32, #tpu.memory_space<hbm>> -> memref<1x96x128xi32, #tpu.memory_space<hbm>>
      %dma_wait3A_127 = tpu.memref_squeeze %dma_wait3A_126 : memref<1x96x128xi32, #tpu.memory_space<hbm>> -> memref<96x128xi32, #tpu.memory_space<hbm>>
      %dma_wait3A_128 = arith.constant 0 : i32
      %dma_wait3A_129 = arith.constant 0 : i32
      %dma_wait3A_130 = tpu.memref_slice %arg3[%add3A, %dma_wait3A_128, %dma_wait3A_129] : memref<32x96x128xi32, #tpu.memory_space<hbm>> -> memref<1x96x128xi32, #tpu.memory_space<hbm>>
      %dma_wait3A_131 = tpu.memref_squeeze %dma_wait3A_130 : memref<1x96x128xi32, #tpu.memory_space<hbm>> -> memref<96x128xi32, #tpu.memory_space<hbm>>
      tpu.wait_dma2 semaphore(%run_scoped3A : memref<!tpu.dma_semaphore, #tpu.memory_space<semaphore_mem>>) src(%dma_wait3A_131 : memref<96x128xi32, #tpu.memory_space<hbm>>) dst(%arg5 : memref<96x128xi32, #tpu.memory_space<vmem>>)
      tpu.yield
    }) : () -> ()
    %iota3A = tpu.iota {dimensions = array<i32: 0>} : vector<16xi32>
    %add3A_1 = arith.constant 0 : i32
    %add3A_2 = vector.broadcast %add3A_1 : i32 to vector<16xi32>
    %add3A_3 = arith.addi %iota3A, %add3A_2 : vector<16xi32>
    %add3A_4 = arith.constant 16 : i32
    %add3A_5 = vector.broadcast %add3A_4 : i32 to vector<16xi32>
    %add3A_6 = arith.addi %iota3A, %add3A_5 : vector<16xi32>
    %add3A_7 = arith.constant 32 : i32
    %add3A_8 = vector.broadcast %add3A_7 : i32 to vector<16xi32>
    %add3A_9 = arith.addi %iota3A, %add3A_8 : vector<16xi32>
    %add3A_10 = arith.constant 48 : i32
    %add3A_11 = vector.broadcast %add3A_10 : i32 to vector<16xi32>
    %add3A_12 = arith.addi %iota3A, %add3A_11 : vector<16xi32>
    %add3A_13 = arith.constant 0 : i32
    %add3A_14 = vector.broadcast %add3A_13 : i32 to vector<16xi32>
    %add3A_15 = arith.addi %iota3A, %add3A_14 : vector<16xi32>
    %add3A_16 = arith.constant 16 : i32
    %add3A_17 = vector.broadcast %add3A_16 : i32 to vector<16xi32>
    %add3A_18 = arith.addi %iota3A, %add3A_17 : vector<16xi32>
    %add3A_19 = arith.constant 32 : i32
    %add3A_20 = vector.broadcast %add3A_19 : i32 to vector<16xi32>
    %add3A_21 = arith.addi %iota3A, %add3A_20 : vector<16xi32>
    %add3A_22 = arith.constant 48 : i32
    %add3A_23 = vector.broadcast %add3A_22 : i32 to vector<16xi32>
    %add3A_24 = arith.addi %iota3A, %add3A_23 : vector<16xi32>
    %add3A_25 = arith.constant 64 : i32
    %add3A_26 = vector.broadcast %add3A_25 : i32 to vector<16xi32>
    %add3A_27 = arith.addi %iota3A, %add3A_26 : vector<16xi32>
    %add3A_28 = arith.constant 80 : i32
    %add3A_29 = vector.broadcast %add3A_28 : i32 to vector<16xi32>
    %add3A_30 = arith.addi %iota3A, %add3A_29 : vector<16xi32>
    %add3A_31 = arith.constant 96 : i32
    %add3A_32 = vector.broadcast %add3A_31 : i32 to vector<16xi32>
    %add3A_33 = arith.addi %iota3A, %add3A_32 : vector<16xi32>
    %add3A_34 = arith.constant 112 : i32
    %add3A_35 = vector.broadcast %add3A_34 : i32 to vector<16xi32>
    %add3A_36 = arith.addi %iota3A, %add3A_35 : vector<16xi32>
    %dma_start3A = arith.constant 0 : i32
    %dma_start3A_37 = arith.constant 0 : i32
    %dma_start3A_38 = arith.constant 0 : i32
    %dma_start3A_39 = arith.constant 0 : i32
    %dma_start3A_40 = tpu.memref_slice %arg6[%dma_start3A, %dma_start3A_38, %dma_start3A_39] : memref<4x64x128xf32, #tpu.memory_space<vmem>> -> memref<1x64x128xf32, #tpu.memory_space<vmem>>
    %dma_start3A_41 = tpu.memref_squeeze %dma_start3A_40 : memref<1x64x128xf32, #tpu.memory_space<vmem>> -> memref<64x128xf32, #tpu.memory_space<vmem>>
    %dma_start3A_42 = arith.constant 0 : i32
    %dma_start3A_43 = arith.constant 0 : i32
    %dma_start3A_44 = tpu.memref_slice %arg2[%add3A, %dma_start3A_42, %dma_start3A_43] : memref<32x64x12288xf32, #tpu.memory_space<hbm>> -> memref<1x64x128xf32, #tpu.memory_space<hbm>>
    %dma_start3A_45 = tpu.memref_squeeze %dma_start3A_44 : memref<1x64x128xf32, #tpu.memory_space<hbm>> -> memref<64x128xf32, #tpu.memory_space<hbm>>
    %dma_start3A_46 = tpu.memref_slice %arg8[%dma_start3A_37] : memref<4x!tpu.dma_semaphore, #tpu.memory_space<semaphore_mem>> -> memref<1x!tpu.dma_semaphore, #tpu.memory_space<semaphore_mem>>
    %dma_start3A_47 = tpu.memref_squeeze %dma_start3A_46 : memref<1x!tpu.dma_semaphore, #tpu.memory_space<semaphore_mem>> -> memref<!tpu.dma_semaphore, #tpu.memory_space<semaphore_mem>>
    %dma_start3A_48 = arith.constant 0 : i32
    %dma_start3A_49 = arith.constant 0 : i32
    %dma_start3A_50 = tpu.memref_slice %arg6[%dma_start3A, %dma_start3A_48, %dma_start3A_49] : memref<4x64x128xf32, #tpu.memory_space<vmem>> -> memref<1x64x128xf32, #tpu.memory_space<vmem>>
    %dma_start3A_51 = tpu.memref_squeeze %dma_start3A_50 : memref<1x64x128xf32, #tpu.memory_space<vmem>> -> memref<64x128xf32, #tpu.memory_space<vmem>>
    %dma_start3A_52 = arith.constant 0 : i32
    %dma_start3A_53 = arith.constant 0 : i32
    %dma_start3A_54 = tpu.memref_slice %arg2[%add3A, %dma_start3A_52, %dma_start3A_53] : memref<32x64x12288xf32, #tpu.memory_space<hbm>> -> memref<1x64x128xf32, #tpu.memory_space<hbm>>
    %dma_start3A_55 = tpu.memref_squeeze %dma_start3A_54 : memref<1x64x128xf32, #tpu.memory_space<hbm>> -> memref<64x128xf32, #tpu.memory_space<hbm>>
    tpu.enqueue_dma source(%dma_start3A_55 : memref<64x128xf32, #tpu.memory_space<hbm>>) target(%dma_start3A_51 : memref<64x128xf32, #tpu.memory_space<vmem>>) target_semaphore(%dma_start3A_47 : memref<!tpu.dma_semaphore, #tpu.memory_space<semaphore_mem>>)
    %dma_start3A_56 = arith.constant 1 : i32
    %dma_start3A_57 = arith.constant 1 : i32
    %dma_start3A_58 = arith.constant 0 : i32
    %dma_start3A_59 = arith.constant 0 : i32
    %dma_start3A_60 = tpu.memref_slice %arg6[%dma_start3A_56, %dma_start3A_58, %dma_start3A_59] : memref<4x64x128xf32, #tpu.memory_space<vmem>> -> memref<1x64x128xf32, #tpu.memory_space<vmem>>
    %dma_start3A_61 = tpu.memref_squeeze %dma_start3A_60 : memref<1x64x128xf32, #tpu.memory_space<vmem>> -> memref<64x128xf32, #tpu.memory_space<vmem>>
    %dma_start3A_62 = arith.constant 0 : i32
    %dma_start3A_63 = arith.constant 128 : i32
    %dma_start3A_64 = tpu.memref_slice %arg2[%add3A, %dma_start3A_62, %dma_start3A_63] : memref<32x64x12288xf32, #tpu.memory_space<hbm>> -> memref<1x64x128xf32, #tpu.memory_space<hbm>>
    %dma_start3A_65 = tpu.memref_squeeze %dma_start3A_64 : memref<1x64x128xf32, #tpu.memory_space<hbm>> -> memref<64x128xf32, #tpu.memory_space<hbm>>
    %dma_start3A_66 = tpu.memref_slice %arg8[%dma_start3A_57] : memref<4x!tpu.dma_semaphore, #tpu.memory_space<semaphore_mem>> -> memref<1x!tpu.dma_semaphore, #tpu.memory_space<semaphore_mem>>
    %dma_start3A_67 = tpu.memref_squeeze %dma_start3A_66 : memref<1x!tpu.dma_semaphore, #tpu.memory_space<semaphore_mem>> -> memref<!tpu.dma_semaphore, #tpu.memory_space<semaphore_mem>>
    %dma_start3A_68 = arith.constant 0 : i32
    %dma_start3A_69 = arith.constant 0 : i32
    %dma_start3A_70 = tpu.memref_slice %arg6[%dma_start3A_56, %dma_start3A_68, %dma_start3A_69] : memref<4x64x128xf32, #tpu.memory_space<vmem>> -> memref<1x64x128xf32, #tpu.memory_space<vmem>>
    %dma_start3A_71 = tpu.memref_squeeze %dma_start3A_70 : memref<1x64x128xf32, #tpu.memory_space<vmem>> -> memref<64x128xf32, #tpu.memory_space<vmem>>
    %dma_start3A_72 = arith.constant 0 : i32
    %dma_start3A_73 = arith.constant 128 : i32
    %dma_start3A_74 = tpu.memref_slice %arg2[%add3A, %dma_start3A_72, %dma_start3A_73] : memref<32x64x12288xf32, #tpu.memory_space<hbm>> -> memref<1x64x128xf32, #tpu.memory_space<hbm>>
    %dma_start3A_75 = tpu.memref_squeeze %dma_start3A_74 : memref<1x64x128xf32, #tpu.memory_space<hbm>> -> memref<64x128xf32, #tpu.memory_space<hbm>>
    tpu.enqueue_dma source(%dma_start3A_75 : memref<64x128xf32, #tpu.memory_space<hbm>>) target(%dma_start3A_71 : memref<64x128xf32, #tpu.memory_space<vmem>>) target_semaphore(%dma_start3A_67 : memref<!tpu.dma_semaphore, #tpu.memory_space<semaphore_mem>>)
    %scan3A = arith.constant 0 : i32
    %scan3A_76 = arith.constant 0 : i32
    %scan3A_77 = arith.constant 24 : i32
    %scan3A_78 = arith.addi %scan3A_76, %scan3A_77 : i32
    %scan3A_79 = arith.constant 1 : i32
    scf.for %scan3A_116 = %scan3A_76 to %scan3A_78 step %scan3A_79  : i32 {
      %mul3A_117 = arith.constant 4 : i32
      %mul3A_118 = arith.muli %scan3A_116, %mul3A_117 : i32
      %add3A_119 = arith.constant 0 : i32
      %add3A_120 = arith.addi %mul3A_118, %add3A_119 : i32
      %dma_wait3A_121 = arith.constant 0 : i32
      %dma_wait3A_122 = arith.constant 0 : i32
      %dma_wait3A_123 = arith.constant 0 : i32
      %dma_wait3A_124 = arith.constant 0 : i32
      %dma_wait3A_125 = arith.constant 0 : i32
      %dma_wait3A_126 = tpu.memref_slice %arg6[%dma_wait3A_122, %dma_wait3A_124, %dma_wait3A_125] : memref<4x64x128xf32, #tpu.memory_space<vmem>> -> memref<1x64x128xf32, #tpu.memory_space<vmem>>
      %dma_wait3A_127 = tpu.memref_squeeze %dma_wait3A_126 : memref<1x64x128xf32, #tpu.memory_space<vmem>> -> memref<64x128xf32, #tpu.memory_space<vmem>>
      %dma_wait3A_128 = arith.constant 0 : i32
      %dma_wait3A_129 = arith.constant 0 : i32
      %dma_wait3A_130 = tpu.memref_slice %arg2[%dma_wait3A_121, %dma_wait3A_128, %dma_wait3A_129] : memref<32x64x12288xf32, #tpu.memory_space<hbm>> -> memref<1x64x128xf32, #tpu.memory_space<hbm>>
      %dma_wait3A_131 = tpu.memref_squeeze %dma_wait3A_130 : memref<1x64x128xf32, #tpu.memory_space<hbm>> -> memref<64x128xf32, #tpu.memory_space<hbm>>
      %dma_wait3A_132 = tpu.memref_slice %arg8[%dma_wait3A_123] : memref<4x!tpu.dma_semaphore, #tpu.memory_space<semaphore_mem>> -> memref<1x!tpu.dma_semaphore, #tpu.memory_space<semaphore_mem>>
      %dma_wait3A_133 = tpu.memref_squeeze %dma_wait3A_132 : memref<1x!tpu.dma_semaphore, #tpu.memory_space<semaphore_mem>> -> memref<!tpu.dma_semaphore, #tpu.memory_space<semaphore_mem>>
      %dma_wait3A_134 = arith.constant 0 : i32
      %dma_wait3A_135 = arith.constant 0 : i32
      %dma_wait3A_136 = tpu.memref_slice %arg6[%dma_wait3A_122, %dma_wait3A_134, %dma_wait3A_135] : memref<4x64x128xf32, #tpu.memory_space<vmem>> -> memref<1x64x128xf32, #tpu.memory_space<vmem>>
      %dma_wait3A_137 = tpu.memref_squeeze %dma_wait3A_136 : memref<1x64x128xf32, #tpu.memory_space<vmem>> -> memref<64x128xf32, #tpu.memory_space<vmem>>
      %dma_wait3A_138 = arith.constant 0 : i32
      %dma_wait3A_139 = arith.constant 0 : i32
      %dma_wait3A_140 = tpu.memref_slice %arg2[%dma_wait3A_121, %dma_wait3A_138, %dma_wait3A_139] : memref<32x64x12288xf32, #tpu.memory_space<hbm>> -> memref<1x64x128xf32, #tpu.memory_space<hbm>>
      %dma_wait3A_141 = tpu.memref_squeeze %dma_wait3A_140 : memref<1x64x128xf32, #tpu.memory_space<hbm>> -> memref<64x128xf32, #tpu.memory_space<hbm>>
      tpu.wait_dma2 semaphore(%dma_wait3A_133 : memref<!tpu.dma_semaphore, #tpu.memory_space<semaphore_mem>>) src(%dma_wait3A_141 : memref<64x128xf32, #tpu.memory_space<hbm>>) dst(%dma_wait3A_137 : memref<64x128xf32, #tpu.memory_space<vmem>>)
      %add3A_142 = arith.constant 2 : i32
      %add3A_143 = arith.addi %add3A_120, %add3A_142 : i32
      %mul3A_144 = arith.constant 128 : i32
      %mul3A_145 = arith.muli %add3A_143, %mul3A_144 : i32
      %dma_start3A_146 = arith.constant 2 : i32
      %dma_start3A_147 = arith.constant 2 : i32
      %dma_start3A_148 = arith.constant 0 : i32
      %dma_start3A_149 = arith.constant 0 : i32
      %dma_start3A_150 = tpu.memref_slice %arg6[%dma_start3A_146, %dma_start3A_148, %dma_start3A_149] : memref<4x64x128xf32, #tpu.memory_space<vmem>> -> memref<1x64x128xf32, #tpu.memory_space<vmem>>
      %dma_start3A_151 = tpu.memref_squeeze %dma_start3A_150 : memref<1x64x128xf32, #tpu.memory_space<vmem>> -> memref<64x128xf32, #tpu.memory_space<vmem>>
      %dma_start3A_152 = arith.constant 0 : i32
      %dma_start3A_153 = tpu.memref_slice %arg2[%add3A, %dma_start3A_152, %mul3A_145] : memref<32x64x12288xf32, #tpu.memory_space<hbm>> -> memref<1x64x128xf32, #tpu.memory_space<hbm>>
      %dma_start3A_154 = tpu.memref_squeeze %dma_start3A_153 : memref<1x64x128xf32, #tpu.memory_space<hbm>> -> memref<64x128xf32, #tpu.memory_space<hbm>>
      %dma_start3A_155 = tpu.memref_slice %arg8[%dma_start3A_147] : memref<4x!tpu.dma_semaphore, #tpu.memory_space<semaphore_mem>> -> memref<1x!tpu.dma_semaphore, #tpu.memory_space<semaphore_mem>>
      %dma_start3A_156 = tpu.memref_squeeze %dma_start3A_155 : memref<1x!tpu.dma_semaphore, #tpu.memory_space<semaphore_mem>> -> memref<!tpu.dma_semaphore, #tpu.memory_space<semaphore_mem>>
      %dma_start3A_157 = arith.constant 0 : i32
      %dma_start3A_158 = arith.constant 0 : i32
      %dma_start3A_159 = tpu.memref_slice %arg6[%dma_start3A_146, %dma_start3A_157, %dma_start3A_158] : memref<4x64x128xf32, #tpu.memory_space<vmem>> -> memref<1x64x128xf32, #tpu.memory_space<vmem>>
      %dma_start3A_160 = tpu.memref_squeeze %dma_start3A_159 : memref<1x64x128xf32, #tpu.memory_space<vmem>> -> memref<64x128xf32, #tpu.memory_space<vmem>>
      %dma_start3A_161 = arith.constant 0 : i32
      %dma_start3A_162 = tpu.memref_slice %arg2[%add3A, %dma_start3A_161, %mul3A_145] : memref<32x64x12288xf32, #tpu.memory_space<hbm>> -> memref<1x64x128xf32, #tpu.memory_space<hbm>>
      %dma_start3A_163 = tpu.memref_squeeze %dma_start3A_162 : memref<1x64x128xf32, #tpu.memory_space<hbm>> -> memref<64x128xf32, #tpu.memory_space<hbm>>
      tpu.enqueue_dma source(%dma_start3A_163 : memref<64x128xf32, #tpu.memory_space<hbm>>) target(%dma_start3A_160 : memref<64x128xf32, #tpu.memory_space<vmem>>) target_semaphore(%dma_start3A_156 : memref<!tpu.dma_semaphore, #tpu.memory_space<semaphore_mem>>)
      %gt3A = arith.constant 0 : i32
      %gt3A_164 = arith.cmpi sgt, %scan3A_116, %gt3A : i32
      %convert_element_type3A = arith.extui %gt3A_164 : i1 to i32
      %cond3A = arith.constant 0 : i32
      %cond3A_165 = arith.cmpi ne, %convert_element_type3A, %cond3A : i32
      scf.if %cond3A_165 {
        %dma_wait3A_388 = arith.constant 0 : i32
        %dma_wait3A_389 = arith.constant 0 : i32
        %dma_wait3A_390 = arith.constant 0 : i32
        %dma_wait3A_391 = arith.constant 0 : i32
        %dma_wait3A_392 = tpu.memref_slice %arg7[%dma_wait3A_388, %dma_wait3A_390, %dma_wait3A_391] : memref<2x128x128xf32, #tpu.memory_space<vmem>> -> memref<1x128x128xf32, #tpu.memory_space<vmem>>
        %dma_wait3A_393 = tpu.memref_squeeze %dma_wait3A_392 : memref<1x128x128xf32, #tpu.memory_space<vmem>> -> memref<128x128xf32, #tpu.memory_space<vmem>>
        %dma_wait3A_394 = arith.constant 0 : i32
        %dma_wait3A_395 = arith.constant 0 : i32
        %dma_wait3A_396 = tpu.memref_slice %arg4[%dma_wait3A_394, %dma_wait3A_395] : memref<393216x128xf32, #tpu.memory_space<hbm>> -> memref<128x128xf32, #tpu.memory_space<hbm>>
        %dma_wait3A_397 = tpu.memref_slice %arg9[%dma_wait3A_389] : memref<2x!tpu.dma_semaphore, #tpu.memory_space<semaphore_mem>> -> memref<1x!tpu.dma_semaphore, #tpu.memory_space<semaphore_mem>>
        %dma_wait3A_398 = tpu.memref_squeeze %dma_wait3A_397 : memref<1x!tpu.dma_semaphore, #tpu.memory_space<semaphore_mem>> -> memref<!tpu.dma_semaphore, #tpu.memory_space<semaphore_mem>>
        %dma_wait3A_399 = arith.constant 0 : i32
        %dma_wait3A_400 = arith.constant 0 : i32
        %dma_wait3A_401 = tpu.memref_slice %arg4[%dma_wait3A_399, %dma_wait3A_400] : memref<393216x128xf32, #tpu.memory_space<hbm>> -> memref<128x128xf32, #tpu.memory_space<hbm>>
        %dma_wait3A_402 = arith.constant 0 : i32
        %dma_wait3A_403 = arith.constant 0 : i32
        %dma_wait3A_404 = tpu.memref_slice %arg7[%dma_wait3A_388, %dma_wait3A_402, %dma_wait3A_403] : memref<2x128x128xf32, #tpu.memory_space<vmem>> -> memref<1x128x128xf32, #tpu.memory_space<vmem>>
        %dma_wait3A_405 = tpu.memref_squeeze %dma_wait3A_404 : memref<1x128x128xf32, #tpu.memory_space<vmem>> -> memref<128x128xf32, #tpu.memory_space<vmem>>
        tpu.wait_dma2 semaphore(%dma_wait3A_398 : memref<!tpu.dma_semaphore, #tpu.memory_space<semaphore_mem>>) src(%dma_wait3A_405 : memref<128x128xf32, #tpu.memory_space<vmem>>) dst(%dma_wait3A_401 : memref<128x128xf32, #tpu.memory_space<hbm>>)
      } else {
      }
      %parallel_loop3A = arith.constant 0 : i32
      %parallel_loop3A_166 = arith.constant 64 : i32
      %parallel_loop3A_167 = arith.constant 1 : i32
      %parallel_loop3A_168 = arith.constant 0 : i32
      %parallel_loop3A_169 = arith.constant 0 : i32
      scf.for %parallel_loop3A_388 = %parallel_loop3A to %parallel_loop3A_166 step %parallel_loop3A_167  : i32 {
        %parallel_loop3A_389 = arith.constant 0 : i32
        %parallel_loop3A_390 = vector.broadcast %parallel_loop3A_389 : i32 to vector<16xi32>
        %parallel_loop3A_391 = vector.broadcast %parallel_loop3A_388 : i32 to vector<16xi32>
        %parallel_loop3A_392 = arith.addi %parallel_loop3A_390, %parallel_loop3A_391 : vector<16xi32>
        %parallel_loop3A_393 = arith.constant 0 : i32
        %parallel_loop3A_394 = arith.constant 0 : i32
        %parallel_loop3A_395 = tpu.memref_slice %arg6[%parallel_loop3A_168, %parallel_loop3A_393, %parallel_loop3A_394] : memref<4x64x128xf32, #tpu.memory_space<vmem>> -> memref<1x64x128xf32, #tpu.memory_space<vmem>>
        %parallel_loop3A_396 = tpu.memref_squeeze %parallel_loop3A_395 : memref<1x64x128xf32, #tpu.memory_space<vmem>> -> memref<64x128xf32, #tpu.memory_space<vmem>>
        %parallel_loop3A_397 = tpu.vector_load_idx %parallel_loop3A_396[%add3A_3, %parallel_loop3A_392] : memref<64x128xf32, #tpu.memory_space<vmem>>[vector<16xi32>, vector<16xi32>], vector<16xf32>,
        %parallel_loop3A_398 = arith.constant 0 : i32
        %parallel_loop3A_399 = arith.constant 0 : i32
        %parallel_loop3A_400 = tpu.memref_slice %arg7[%parallel_loop3A_169, %parallel_loop3A_398, %parallel_loop3A_399] : memref<2x128x128xf32, #tpu.memory_space<vmem>> -> memref<1x128x128xf32, #tpu.memory_space<vmem>>
        %parallel_loop3A_401 = tpu.memref_squeeze %parallel_loop3A_400 : memref<1x128x128xf32, #tpu.memory_space<vmem>> -> memref<128x128xf32, #tpu.memory_space<vmem>>
        %parallel_loop3A_402 = arith.index_cast %parallel_loop3A_388 : i32 to index
        %parallel_loop3A_403 = arith.constant 0 : index
        %parallel_loop3A_404 = tpu.vector_load %parallel_loop3A_401[%parallel_loop3A_402, %parallel_loop3A_403] {strides = array<i32>} : memref<128x128xf32, #tpu.memory_space<vmem>>, vector<16xf32>,
        tpu.vector_store %parallel_loop3A_401[%parallel_loop3A_402, %parallel_loop3A_403], %parallel_loop3A_397 {strides = array<i32>} : memref<128x128xf32, #tpu.memory_space<vmem>>, vector<16xf32>,
        %parallel_loop3A_405 = arith.constant 0 : i32
        %parallel_loop3A_406 = arith.constant 0 : i32
        %parallel_loop3A_407 = tpu.memref_slice %arg6[%parallel_loop3A_168, %parallel_loop3A_405, %parallel_loop3A_406] : memref<4x64x128xf32, #tpu.memory_space<vmem>> -> memref<1x64x128xf32, #tpu.memory_space<vmem>>
        %parallel_loop3A_408 = tpu.memref_squeeze %parallel_loop3A_407 : memref<1x64x128xf32, #tpu.memory_space<vmem>> -> memref<64x128xf32, #tpu.memory_space<vmem>>
        %parallel_loop3A_409 = tpu.vector_load_idx %parallel_loop3A_408[%add3A_6, %parallel_loop3A_392] : memref<64x128xf32, #tpu.memory_space<vmem>>[vector<16xi32>, vector<16xi32>], vector<16xf32>,
        %parallel_loop3A_410 = arith.constant 0 : i32
        %parallel_loop3A_411 = arith.constant 0 : i32
        %parallel_loop3A_412 = tpu.memref_slice %arg7[%parallel_loop3A_169, %parallel_loop3A_410, %parallel_loop3A_411] : memref<2x128x128xf32, #tpu.memory_space<vmem>> -> memref<1x128x128xf32, #tpu.memory_space<vmem>>
        %parallel_loop3A_413 = tpu.memref_squeeze %parallel_loop3A_412 : memref<1x128x128xf32, #tpu.memory_space<vmem>> -> memref<128x128xf32, #tpu.memory_space<vmem>>
        %parallel_loop3A_414 = arith.index_cast %parallel_loop3A_388 : i32 to index
        %parallel_loop3A_415 = arith.constant 16 : index
        %parallel_loop3A_416 = tpu.vector_load %parallel_loop3A_413[%parallel_loop3A_414, %parallel_loop3A_415] {strides = array<i32>} : memref<128x128xf32, #tpu.memory_space<vmem>>, vector<16xf32>,
        tpu.vector_store %parallel_loop3A_413[%parallel_loop3A_414, %parallel_loop3A_415], %parallel_loop3A_409 {strides = array<i32>} : memref<128x128xf32, #tpu.memory_space<vmem>>, vector<16xf32>,
        %parallel_loop3A_417 = arith.constant 0 : i32
        %parallel_loop3A_418 = arith.constant 0 : i32
        %parallel_loop3A_419 = tpu.memref_slice %arg6[%parallel_loop3A_168, %parallel_loop3A_417, %parallel_loop3A_418] : memref<4x64x128xf32, #tpu.memory_space<vmem>> -> memref<1x64x128xf32, #tpu.memory_space<vmem>>
        %parallel_loop3A_420 = tpu.memref_squeeze %parallel_loop3A_419 : memref<1x64x128xf32, #tpu.memory_space<vmem>> -> memref<64x128xf32, #tpu.memory_space<vmem>>
        %parallel_loop3A_421 = tpu.vector_load_idx %parallel_loop3A_420[%add3A_9, %parallel_loop3A_392] : memref<64x128xf32, #tpu.memory_space<vmem>>[vector<16xi32>, vector<16xi32>], vector<16xf32>,
        %parallel_loop3A_422 = arith.constant 0 : i32
        %parallel_loop3A_423 = arith.constant 0 : i32
        %parallel_loop3A_424 = tpu.memref_slice %arg7[%parallel_loop3A_169, %parallel_loop3A_422, %parallel_loop3A_423] : memref<2x128x128xf32, #tpu.memory_space<vmem>> -> memref<1x128x128xf32, #tpu.memory_space<vmem>>
        %parallel_loop3A_425 = tpu.memref_squeeze %parallel_loop3A_424 : memref<1x128x128xf32, #tpu.memory_space<vmem>> -> memref<128x128xf32, #tpu.memory_space<vmem>>
        %parallel_loop3A_426 = arith.index_cast %parallel_loop3A_388 : i32 to index
        %parallel_loop3A_427 = arith.constant 32 : index
        %parallel_loop3A_428 = tpu.vector_load %parallel_loop3A_425[%parallel_loop3A_426, %parallel_loop3A_427] {strides = array<i32>} : memref<128x128xf32, #tpu.memory_space<vmem>>, vector<16xf32>,
        tpu.vector_store %parallel_loop3A_425[%parallel_loop3A_426, %parallel_loop3A_427], %parallel_loop3A_421 {strides = array<i32>} : memref<128x128xf32, #tpu.memory_space<vmem>>, vector<16xf32>,
        %parallel_loop3A_429 = arith.constant 0 : i32
        %parallel_loop3A_430 = arith.constant 0 : i32
        %parallel_loop3A_431 = tpu.memref_slice %arg6[%parallel_loop3A_168, %parallel_loop3A_429, %parallel_loop3A_430] : memref<4x64x128xf32, #tpu.memory_space<vmem>> -> memref<1x64x128xf32, #tpu.memory_space<vmem>>
        %parallel_loop3A_432 = tpu.memref_squeeze %parallel_loop3A_431 : memref<1x64x128xf32, #tpu.memory_space<vmem>> -> memref<64x128xf32, #tpu.memory_space<vmem>>
        %parallel_loop3A_433 = tpu.vector_load_idx %parallel_loop3A_432[%add3A_12, %parallel_loop3A_392] : memref<64x128xf32, #tpu.memory_space<vmem>>[vector<16xi32>, vector<16xi32>], vector<16xf32>,
        %parallel_loop3A_434 = arith.constant 0 : i32
        %parallel_loop3A_435 = arith.constant 0 : i32
        %parallel_loop3A_436 = tpu.memref_slice %arg7[%parallel_loop3A_169, %parallel_loop3A_434, %parallel_loop3A_435] : memref<2x128x128xf32, #tpu.memory_space<vmem>> -> memref<1x128x128xf32, #tpu.memory_space<vmem>>
        %parallel_loop3A_437 = tpu.memref_squeeze %parallel_loop3A_436 : memref<1x128x128xf32, #tpu.memory_space<vmem>> -> memref<128x128xf32, #tpu.memory_space<vmem>>
        %parallel_loop3A_438 = arith.index_cast %parallel_loop3A_388 : i32 to index
        %parallel_loop3A_439 = arith.constant 48 : index
        %parallel_loop3A_440 = tpu.vector_load %parallel_loop3A_437[%parallel_loop3A_438, %parallel_loop3A_439] {strides = array<i32>} : memref<128x128xf32, #tpu.memory_space<vmem>>, vector<16xf32>,
        tpu.vector_store %parallel_loop3A_437[%parallel_loop3A_438, %parallel_loop3A_439], %parallel_loop3A_433 {strides = array<i32>} : memref<128x128xf32, #tpu.memory_space<vmem>>, vector<16xf32>,
        %parallel_loop3A_441 = arith.constant 0 : i32
        %parallel_loop3A_442 = arith.constant 0 : i32
        %parallel_loop3A_443 = tpu.memref_slice %arg6[%parallel_loop3A_168, %parallel_loop3A_441, %parallel_loop3A_442] : memref<4x64x128xf32, #tpu.memory_space<vmem>> -> memref<1x64x128xf32, #tpu.memory_space<vmem>>
        %parallel_loop3A_444 = tpu.memref_squeeze %parallel_loop3A_443 : memref<1x64x128xf32, #tpu.memory_space<vmem>> -> memref<64x128xf32, #tpu.memory_space<vmem>>
        %parallel_loop3A_445 = arith.index_cast %parallel_loop3A_388 : i32 to index
        %parallel_loop3A_446 = arith.constant 64 : index
        %parallel_loop3A_447 = tpu.vector_load %parallel_loop3A_444[%parallel_loop3A_445, %parallel_loop3A_446] {strides = array<i32>} : memref<64x128xf32, #tpu.memory_space<vmem>>, vector<16xf32>,
        %parallel_loop3A_448 = arith.constant 0 : i32
        %parallel_loop3A_449 = arith.constant 0 : i32
        %parallel_loop3A_450 = tpu.memref_slice %arg7[%parallel_loop3A_169, %parallel_loop3A_448, %parallel_loop3A_449] : memref<2x128x128xf32, #tpu.memory_space<vmem>> -> memref<1x128x128xf32, #tpu.memory_space<vmem>>
        %parallel_loop3A_451 = tpu.memref_squeeze %parallel_loop3A_450 : memref<1x128x128xf32, #tpu.memory_space<vmem>> -> memref<128x128xf32, #tpu.memory_space<vmem>>
        tpu.vector_store_idx %parallel_loop3A_451[%add3A_27, %parallel_loop3A_392], %parallel_loop3A_447 : memref<128x128xf32, #tpu.memory_space<vmem>>[vector<16xi32>, vector<16xi32>], vector<16xf32>,
        %parallel_loop3A_452 = arith.constant 0 : i32
        %parallel_loop3A_453 = arith.constant 0 : i32
        %parallel_loop3A_454 = tpu.memref_slice %arg6[%parallel_loop3A_168, %parallel_loop3A_452, %parallel_loop3A_453] : memref<4x64x128xf32, #tpu.memory_space<vmem>> -> memref<1x64x128xf32, #tpu.memory_space<vmem>>
        %parallel_loop3A_455 = tpu.memref_squeeze %parallel_loop3A_454 : memref<1x64x128xf32, #tpu.memory_space<vmem>> -> memref<64x128xf32, #tpu.memory_space<vmem>>
        %parallel_loop3A_456 = arith.index_cast %parallel_loop3A_388 : i32 to index
        %parallel_loop3A_457 = arith.constant 80 : index
        %parallel_loop3A_458 = tpu.vector_load %parallel_loop3A_455[%parallel_loop3A_456, %parallel_loop3A_457] {strides = array<i32>} : memref<64x128xf32, #tpu.memory_space<vmem>>, vector<16xf32>,
        %parallel_loop3A_459 = arith.constant 0 : i32
        %parallel_loop3A_460 = arith.constant 0 : i32
        %parallel_loop3A_461 = tpu.memref_slice %arg7[%parallel_loop3A_169, %parallel_loop3A_459, %parallel_loop3A_460] : memref<2x128x128xf32, #tpu.memory_space<vmem>> -> memref<1x128x128xf32, #tpu.memory_space<vmem>>
        %parallel_loop3A_462 = tpu.memref_squeeze %parallel_loop3A_461 : memref<1x128x128xf32, #tpu.memory_space<vmem>> -> memref<128x128xf32, #tpu.memory_space<vmem>>
        tpu.vector_store_idx %parallel_loop3A_462[%add3A_30, %parallel_loop3A_392], %parallel_loop3A_458 : memref<128x128xf32, #tpu.memory_space<vmem>>[vector<16xi32>, vector<16xi32>], vector<16xf32>,
        %parallel_loop3A_463 = arith.constant 0 : i32
        %parallel_loop3A_464 = arith.constant 0 : i32
        %parallel_loop3A_465 = tpu.memref_slice %arg6[%parallel_loop3A_168, %parallel_loop3A_463, %parallel_loop3A_464] : memref<4x64x128xf32, #tpu.memory_space<vmem>> -> memref<1x64x128xf32, #tpu.memory_space<vmem>>
        %parallel_loop3A_466 = tpu.memref_squeeze %parallel_loop3A_465 : memref<1x64x128xf32, #tpu.memory_space<vmem>> -> memref<64x128xf32, #tpu.memory_space<vmem>>
        %parallel_loop3A_467 = arith.index_cast %parallel_loop3A_388 : i32 to index
        %parallel_loop3A_468 = arith.constant 96 : index
        %parallel_loop3A_469 = tpu.vector_load %parallel_loop3A_466[%parallel_loop3A_467, %parallel_loop3A_468] {strides = array<i32>} : memref<64x128xf32, #tpu.memory_space<vmem>>, vector<16xf32>,
        %parallel_loop3A_470 = arith.constant 0 : i32
        %parallel_loop3A_471 = arith.constant 0 : i32
        %parallel_loop3A_472 = tpu.memref_slice %arg7[%parallel_loop3A_169, %parallel_loop3A_470, %parallel_loop3A_471] : memref<2x128x128xf32, #tpu.memory_space<vmem>> -> memref<1x128x128xf32, #tpu.memory_space<vmem>>
        %parallel_loop3A_473 = tpu.memref_squeeze %parallel_loop3A_472 : memref<1x128x128xf32, #tpu.memory_space<vmem>> -> memref<128x128xf32, #tpu.memory_space<vmem>>
        tpu.vector_store_idx %parallel_loop3A_473[%add3A_33, %parallel_loop3A_392], %parallel_loop3A_469 : memref<128x128xf32, #tpu.memory_space<vmem>>[vector<16xi32>, vector<16xi32>], vector<16xf32>,
        %parallel_loop3A_474 = arith.constant 0 : i32
        %parallel_loop3A_475 = arith.constant 0 : i32
        %parallel_loop3A_476 = tpu.memref_slice %arg6[%parallel_loop3A_168, %parallel_loop3A_474, %parallel_loop3A_475] : memref<4x64x128xf32, #tpu.memory_space<vmem>> -> memref<1x64x128xf32, #tpu.memory_space<vmem>>
        %parallel_loop3A_477 = tpu.memref_squeeze %parallel_loop3A_476 : memref<1x64x128xf32, #tpu.memory_space<vmem>> -> memref<64x128xf32, #tpu.memory_space<vmem>>
        %parallel_loop3A_478 = arith.index_cast %parallel_loop3A_388 : i32 to index
        %parallel_loop3A_479 = arith.constant 112 : index
        %parallel_loop3A_480 = tpu.vector_load %parallel_loop3A_477[%parallel_loop3A_478, %parallel_loop3A_479] {strides = array<i32>} : memref<64x128xf32, #tpu.memory_space<vmem>>, vector<16xf32>,
        %parallel_loop3A_481 = arith.constant 0 : i32
        %parallel_loop3A_482 = arith.constant 0 : i32
        %parallel_loop3A_483 = tpu.memref_slice %arg7[%parallel_loop3A_169, %parallel_loop3A_481, %parallel_loop3A_482] : memref<2x128x128xf32, #tpu.memory_space<vmem>> -> memref<1x128x128xf32, #tpu.memory_space<vmem>>
        %parallel_loop3A_484 = tpu.memref_squeeze %parallel_loop3A_483 : memref<1x128x128xf32, #tpu.memory_space<vmem>> -> memref<128x128xf32, #tpu.memory_space<vmem>>
        tpu.vector_store_idx %parallel_loop3A_484[%add3A_36, %parallel_loop3A_392], %parallel_loop3A_480 : memref<128x128xf32, #tpu.memory_space<vmem>>[vector<16xi32>, vector<16xi32>], vector<16xf32>,
      } {sc.loop_unroll_factor = 1 : i64, sc.parallel_access}
      %dma_start3A_170 = arith.constant 0 : i32
      %dma_start3A_171 = arith.constant 0 : i32
      %dma_start3A_172 = arith.constant 0 : i32
      %dma_start3A_173 = arith.constant 0 : i32
      %dma_start3A_174 = tpu.memref_slice %arg7[%dma_start3A_170, %dma_start3A_172, %dma_start3A_173] : memref<2x128x128xf32, #tpu.memory_space<vmem>> -> memref<1x128x128xf32, #tpu.memory_space<vmem>>
      %dma_start3A_175 = tpu.memref_squeeze %dma_start3A_174 : memref<1x128x128xf32, #tpu.memory_space<vmem>> -> memref<128x128xf32, #tpu.memory_space<vmem>>
      %dma_start3A_176 = arith.constant 0 : i32
      %dma_start3A_177 = tpu.memref_slice %arg5[%add3A_120, %dma_start3A_176] : memref<96x128xi32, #tpu.memory_space<vmem>> -> memref<1x128xi32, #tpu.memory_space<vmem>>
      %dma_start3A_178 = tpu.memref_squeeze %dma_start3A_177 : memref<1x128xi32, #tpu.memory_space<vmem>> -> memref<128xi32, #tpu.memory_space<vmem>>
      %dma_start3A_179 = arith.constant 0 : i32
      %dma_start3A_180 = arith.constant 0 : i32
      %dma_start3A_181 = tpu.memref_slice %arg4[%dma_start3A_179, %dma_start3A_180] : memref<393216x128xf32, #tpu.memory_space<hbm>> -> memref<393216x128xf32, #tpu.memory_space<hbm>>
      %dma_start3A_182 = tpu.memref_slice %arg9[%dma_start3A_171] : memref<2x!tpu.dma_semaphore, #tpu.memory_space<semaphore_mem>> -> memref<1x!tpu.dma_semaphore, #tpu.memory_space<semaphore_mem>>
      %dma_start3A_183 = tpu.memref_squeeze %dma_start3A_182 : memref<1x!tpu.dma_semaphore, #tpu.memory_space<semaphore_mem>> -> memref<!tpu.dma_semaphore, #tpu.memory_space<semaphore_mem>>
      tpu.enqueue_indirect_dma source(%dma_start3A_175 : memref<128x128xf32, #tpu.memory_space<vmem>>) target(%dma_start3A_181 : memref<393216x128xf32, #tpu.memory_space<hbm>>) offsets(%dma_start3A_178 : memref<128xi32, #tpu.memory_space<vmem>>) semaphore(%dma_start3A_183 : memref<!tpu.dma_semaphore, #tpu.memory_space<semaphore_mem>>)
      %mul3A_184 = arith.constant 4 : i32
      %mul3A_185 = arith.muli %scan3A_116, %mul3A_184 : i32
      %add3A_186 = arith.constant 1 : i32
      %add3A_187 = arith.addi %mul3A_185, %add3A_186 : i32
      %dma_wait3A_188 = arith.constant 0 : i32
      %dma_wait3A_189 = arith.constant 1 : i32
      %dma_wait3A_190 = arith.constant 1 : i32
      %dma_wait3A_191 = arith.constant 0 : i32
      %dma_wait3A_192 = arith.constant 0 : i32
      %dma_wait3A_193 = tpu.memref_slice %arg6[%dma_wait3A_189, %dma_wait3A_191, %dma_wait3A_192] : memref<4x64x128xf32, #tpu.memory_space<vmem>> -> memref<1x64x128xf32, #tpu.memory_space<vmem>>
      %dma_wait3A_194 = tpu.memref_squeeze %dma_wait3A_193 : memref<1x64x128xf32, #tpu.memory_space<vmem>> -> memref<64x128xf32, #tpu.memory_space<vmem>>
      %dma_wait3A_195 = arith.constant 0 : i32
      %dma_wait3A_196 = arith.constant 0 : i32
      %dma_wait3A_197 = tpu.memref_slice %arg2[%dma_wait3A_188, %dma_wait3A_195, %dma_wait3A_196] : memref<32x64x12288xf32, #tpu.memory_space<hbm>> -> memref<1x64x128xf32, #tpu.memory_space<hbm>>
      %dma_wait3A_198 = tpu.memref_squeeze %dma_wait3A_197 : memref<1x64x128xf32, #tpu.memory_space<hbm>> -> memref<64x128xf32, #tpu.memory_space<hbm>>
      %dma_wait3A_199 = tpu.memref_slice %arg8[%dma_wait3A_190] : memref<4x!tpu.dma_semaphore, #tpu.memory_space<semaphore_mem>> -> memref<1x!tpu.dma_semaphore, #tpu.memory_space<semaphore_mem>>
      %dma_wait3A_200 = tpu.memref_squeeze %dma_wait3A_199 : memref<1x!tpu.dma_semaphore, #tpu.memory_space<semaphore_mem>> -> memref<!tpu.dma_semaphore, #tpu.memory_space<semaphore_mem>>
      %dma_wait3A_201 = arith.constant 0 : i32
      %dma_wait3A_202 = arith.constant 0 : i32
      %dma_wait3A_203 = tpu.memref_slice %arg6[%dma_wait3A_189, %dma_wait3A_201, %dma_wait3A_202] : memref<4x64x128xf32, #tpu.memory_space<vmem>> -> memref<1x64x128xf32, #tpu.memory_space<vmem>>
      %dma_wait3A_204 = tpu.memref_squeeze %dma_wait3A_203 : memref<1x64x128xf32, #tpu.memory_space<vmem>> -> memref<64x128xf32, #tpu.memory_space<vmem>>
      %dma_wait3A_205 = arith.constant 0 : i32
      %dma_wait3A_206 = arith.constant 0 : i32
      %dma_wait3A_207 = tpu.memref_slice %arg2[%dma_wait3A_188, %dma_wait3A_205, %dma_wait3A_206] : memref<32x64x12288xf32, #tpu.memory_space<hbm>> -> memref<1x64x128xf32, #tpu.memory_space<hbm>>
      %dma_wait3A_208 = tpu.memref_squeeze %dma_wait3A_207 : memref<1x64x128xf32, #tpu.memory_space<hbm>> -> memref<64x128xf32, #tpu.memory_space<hbm>>
      tpu.wait_dma2 semaphore(%dma_wait3A_200 : memref<!tpu.dma_semaphore, #tpu.memory_space<semaphore_mem>>) src(%dma_wait3A_208 : memref<64x128xf32, #tpu.memory_space<hbm>>) dst(%dma_wait3A_204 : memref<64x128xf32, #tpu.memory_space<vmem>>)
      %add3A_209 = arith.constant 2 : i32
      %add3A_210 = arith.addi %add3A_187, %add3A_209 : i32
      %mul3A_211 = arith.constant 128 : i32
      %mul3A_212 = arith.muli %add3A_210, %mul3A_211 : i32
      %dma_start3A_213 = arith.constant 3 : i32
      %dma_start3A_214 = arith.constant 3 : i32
      %dma_start3A_215 = arith.constant 0 : i32
      %dma_start3A_216 = arith.constant 0 : i32
      %dma_start3A_217 = tpu.memref_slice %arg6[%dma_start3A_213, %dma_start3A_215, %dma_start3A_216] : memref<4x64x128xf32, #tpu.memory_space<vmem>> -> memref<1x64x128xf32, #tpu.memory_space<vmem>>
      %dma_start3A_218 = tpu.memref_squeeze %dma_start3A_217 : memref<1x64x128xf32, #tpu.memory_space<vmem>> -> memref<64x128xf32, #tpu.memory_space<vmem>>
      %dma_start3A_219 = arith.constant 0 : i32
      %dma_start3A_220 = tpu.memref_slice %arg2[%add3A, %dma_start3A_219, %mul3A_212] : memref<32x64x12288xf32, #tpu.memory_space<hbm>> -> memref<1x64x128xf32, #tpu.memory_space<hbm>>
      %dma_start3A_221 = tpu.memref_squeeze %dma_start3A_220 : memref<1x64x128xf32, #tpu.memory_space<hbm>> -> memref<64x128xf32, #tpu.memory_space<hbm>>
      %dma_start3A_222 = tpu.memref_slice %arg8[%dma_start3A_214] : memref<4x!tpu.dma_semaphore, #tpu.memory_space<semaphore_mem>> -> memref<1x!tpu.dma_semaphore, #tpu.memory_space<semaphore_mem>>
      %dma_start3A_223 = tpu.memref_squeeze %dma_start3A_222 : memref<1x!tpu.dma_semaphore, #tpu.memory_space<semaphore_mem>> -> memref<!tpu.dma_semaphore, #tpu.memory_space<semaphore_mem>>
      %dma_start3A_224 = arith.constant 0 : i32
      %dma_start3A_225 = arith.constant 0 : i32
      %dma_start3A_226 = tpu.memref_slice %arg6[%dma_start3A_213, %dma_start3A_224, %dma_start3A_225] : memref<4x64x128xf32, #tpu.memory_space<vmem>> -> memref<1x64x128xf32, #tpu.memory_space<vmem>>
      %dma_start3A_227 = tpu.memref_squeeze %dma_start3A_226 : memref<1x64x128xf32, #tpu.memory_space<vmem>> -> memref<64x128xf32, #tpu.memory_space<vmem>>
      %dma_start3A_228 = arith.constant 0 : i32
      %dma_start3A_229 = tpu.memref_slice %arg2[%add3A, %dma_start3A_228, %mul3A_212] : memref<32x64x12288xf32, #tpu.memory_space<hbm>> -> memref<1x64x128xf32, #tpu.memory_space<hbm>>
      %dma_start3A_230 = tpu.memref_squeeze %dma_start3A_229 : memref<1x64x128xf32, #tpu.memory_space<hbm>> -> memref<64x128xf32, #tpu.memory_space<hbm>>
      tpu.enqueue_dma source(%dma_start3A_230 : memref<64x128xf32, #tpu.memory_space<hbm>>) target(%dma_start3A_227 : memref<64x128xf32, #tpu.memory_space<vmem>>) target_semaphore(%dma_start3A_223 : memref<!tpu.dma_semaphore, #tpu.memory_space<semaphore_mem>>)
      %gt3A_231 = arith.constant 0 : i32
      %gt3A_232 = arith.cmpi sgt, %scan3A_116, %gt3A_231 : i32
      %convert_element_type3A_233 = arith.extui %gt3A_232 : i1 to i32
      %cond3A_234 = arith.constant 0 : i32
      %cond3A_235 = arith.cmpi ne, %convert_element_type3A_233, %cond3A_234 : i32
      scf.if %cond3A_235 {
        %dma_wait3A_388 = arith.constant 1 : i32
        %dma_wait3A_389 = arith.constant 1 : i32
        %dma_wait3A_390 = arith.constant 0 : i32
        %dma_wait3A_391 = arith.constant 0 : i32
        %dma_wait3A_392 = tpu.memref_slice %arg7[%dma_wait3A_388, %dma_wait3A_390, %dma_wait3A_391] : memref<2x128x128xf32, #tpu.memory_space<vmem>> -> memref<1x128x128xf32, #tpu.memory_space<vmem>>
        %dma_wait3A_393 = tpu.memref_squeeze %dma_wait3A_392 : memref<1x128x128xf32, #tpu.memory_space<vmem>> -> memref<128x128xf32, #tpu.memory_space<vmem>>
        %dma_wait3A_394 = arith.constant 0 : i32
        %dma_wait3A_395 = arith.constant 0 : i32
        %dma_wait3A_396 = tpu.memref_slice %arg4[%dma_wait3A_394, %dma_wait3A_395] : memref<393216x128xf32, #tpu.memory_space<hbm>> -> memref<128x128xf32, #tpu.memory_space<hbm>>
        %dma_wait3A_397 = tpu.memref_slice %arg9[%dma_wait3A_389] : memref<2x!tpu.dma_semaphore, #tpu.memory_space<semaphore_mem>> -> memref<1x!tpu.dma_semaphore, #tpu.memory_space<semaphore_mem>>
        %dma_wait3A_398 = tpu.memref_squeeze %dma_wait3A_397 : memref<1x!tpu.dma_semaphore, #tpu.memory_space<semaphore_mem>> -> memref<!tpu.dma_semaphore, #tpu.memory_space<semaphore_mem>>
        %dma_wait3A_399 = arith.constant 0 : i32
        %dma_wait3A_400 = arith.constant 0 : i32
        %dma_wait3A_401 = tpu.memref_slice %arg4[%dma_wait3A_399, %dma_wait3A_400] : memref<393216x128xf32, #tpu.memory_space<hbm>> -> memref<128x128xf32, #tpu.memory_space<hbm>>
        %dma_wait3A_402 = arith.constant 0 : i32
        %dma_wait3A_403 = arith.constant 0 : i32
        %dma_wait3A_404 = tpu.memref_slice %arg7[%dma_wait3A_388, %dma_wait3A_402, %dma_wait3A_403] : memref<2x128x128xf32, #tpu.memory_space<vmem>> -> memref<1x128x128xf32, #tpu.memory_space<vmem>>
        %dma_wait3A_405 = tpu.memref_squeeze %dma_wait3A_404 : memref<1x128x128xf32, #tpu.memory_space<vmem>> -> memref<128x128xf32, #tpu.memory_space<vmem>>
        tpu.wait_dma2 semaphore(%dma_wait3A_398 : memref<!tpu.dma_semaphore, #tpu.memory_space<semaphore_mem>>) src(%dma_wait3A_405 : memref<128x128xf32, #tpu.memory_space<vmem>>) dst(%dma_wait3A_401 : memref<128x128xf32, #tpu.memory_space<hbm>>)
      } else {
      }
      %parallel_loop3A_236 = arith.constant 0 : i32
      %parallel_loop3A_237 = arith.constant 64 : i32
      %parallel_loop3A_238 = arith.constant 1 : i32
      %parallel_loop3A_239 = arith.constant 1 : i32
      %parallel_loop3A_240 = arith.constant 1 : i32
      scf.for %parallel_loop3A_388 = %parallel_loop3A_236 to %parallel_loop3A_237 step %parallel_loop3A_238  : i32 {
        %parallel_loop3A_389 = arith.constant 0 : i32
        %parallel_loop3A_390 = vector.broadcast %parallel_loop3A_389 : i32 to vector<16xi32>
        %parallel_loop3A_391 = vector.broadcast %parallel_loop3A_388 : i32 to vector<16xi32>
        %parallel_loop3A_392 = arith.addi %parallel_loop3A_390, %parallel_loop3A_391 : vector<16xi32>
        %parallel_loop3A_393 = arith.constant 0 : i32
        %parallel_loop3A_394 = arith.constant 0 : i32
        %parallel_loop3A_395 = tpu.memref_slice %arg6[%parallel_loop3A_239, %parallel_loop3A_393, %parallel_loop3A_394] : memref<4x64x128xf32, #tpu.memory_space<vmem>> -> memref<1x64x128xf32, #tpu.memory_space<vmem>>
        %parallel_loop3A_396 = tpu.memref_squeeze %parallel_loop3A_395 : memref<1x64x128xf32, #tpu.memory_space<vmem>> -> memref<64x128xf32, #tpu.memory_space<vmem>>
        %parallel_loop3A_397 = tpu.vector_load_idx %parallel_loop3A_396[%add3A_3, %parallel_loop3A_392] : memref<64x128xf32, #tpu.memory_space<vmem>>[vector<16xi32>, vector<16xi32>], vector<16xf32>,
        %parallel_loop3A_398 = arith.constant 0 : i32
        %parallel_loop3A_399 = arith.constant 0 : i32
        %parallel_loop3A_400 = tpu.memref_slice %arg7[%parallel_loop3A_240, %parallel_loop3A_398, %parallel_loop3A_399] : memref<2x128x128xf32, #tpu.memory_space<vmem>> -> memref<1x128x128xf32, #tpu.memory_space<vmem>>
        %parallel_loop3A_401 = tpu.memref_squeeze %parallel_loop3A_400 : memref<1x128x128xf32, #tpu.memory_space<vmem>> -> memref<128x128xf32, #tpu.memory_space<vmem>>
        %parallel_loop3A_402 = arith.index_cast %parallel_loop3A_388 : i32 to index
        %parallel_loop3A_403 = arith.constant 0 : index
        %parallel_loop3A_404 = tpu.vector_load %parallel_loop3A_401[%parallel_loop3A_402, %parallel_loop3A_403] {strides = array<i32>} : memref<128x128xf32, #tpu.memory_space<vmem>>, vector<16xf32>,
        tpu.vector_store %parallel_loop3A_401[%parallel_loop3A_402, %parallel_loop3A_403], %parallel_loop3A_397 {strides = array<i32>} : memref<128x128xf32, #tpu.memory_space<vmem>>, vector<16xf32>,
        %parallel_loop3A_405 = arith.constant 0 : i32
        %parallel_loop3A_406 = arith.constant 0 : i32
        %parallel_loop3A_407 = tpu.memref_slice %arg6[%parallel_loop3A_239, %parallel_loop3A_405, %parallel_loop3A_406] : memref<4x64x128xf32, #tpu.memory_space<vmem>> -> memref<1x64x128xf32, #tpu.memory_space<vmem>>
        %parallel_loop3A_408 = tpu.memref_squeeze %parallel_loop3A_407 : memref<1x64x128xf32, #tpu.memory_space<vmem>> -> memref<64x128xf32, #tpu.memory_space<vmem>>
        %parallel_loop3A_409 = tpu.vector_load_idx %parallel_loop3A_408[%add3A_6, %parallel_loop3A_392] : memref<64x128xf32, #tpu.memory_space<vmem>>[vector<16xi32>, vector<16xi32>], vector<16xf32>,
        %parallel_loop3A_410 = arith.constant 0 : i32
        %parallel_loop3A_411 = arith.constant 0 : i32
        %parallel_loop3A_412 = tpu.memref_slice %arg7[%parallel_loop3A_240, %parallel_loop3A_410, %parallel_loop3A_411] : memref<2x128x128xf32, #tpu.memory_space<vmem>> -> memref<1x128x128xf32, #tpu.memory_space<vmem>>
        %parallel_loop3A_413 = tpu.memref_squeeze %parallel_loop3A_412 : memref<1x128x128xf32, #tpu.memory_space<vmem>> -> memref<128x128xf32, #tpu.memory_space<vmem>>
        %parallel_loop3A_414 = arith.index_cast %parallel_loop3A_388 : i32 to index
        %parallel_loop3A_415 = arith.constant 16 : index
        %parallel_loop3A_416 = tpu.vector_load %parallel_loop3A_413[%parallel_loop3A_414, %parallel_loop3A_415] {strides = array<i32>} : memref<128x128xf32, #tpu.memory_space<vmem>>, vector<16xf32>,
        tpu.vector_store %parallel_loop3A_413[%parallel_loop3A_414, %parallel_loop3A_415], %parallel_loop3A_409 {strides = array<i32>} : memref<128x128xf32, #tpu.memory_space<vmem>>, vector<16xf32>,
        %parallel_loop3A_417 = arith.constant 0 : i32
        %parallel_loop3A_418 = arith.constant 0 : i32
        %parallel_loop3A_419 = tpu.memref_slice %arg6[%parallel_loop3A_239, %parallel_loop3A_417, %parallel_loop3A_418] : memref<4x64x128xf32, #tpu.memory_space<vmem>> -> memref<1x64x128xf32, #tpu.memory_space<vmem>>
        %parallel_loop3A_420 = tpu.memref_squeeze %parallel_loop3A_419 : memref<1x64x128xf32, #tpu.memory_space<vmem>> -> memref<64x128xf32, #tpu.memory_space<vmem>>
        %parallel_loop3A_421 = tpu.vector_load_idx %parallel_loop3A_420[%add3A_9, %parallel_loop3A_392] : memref<64x128xf32, #tpu.memory_space<vmem>>[vector<16xi32>, vector<16xi32>], vector<16xf32>,
        %parallel_loop3A_422 = arith.constant 0 : i32
        %parallel_loop3A_423 = arith.constant 0 : i32
        %parallel_loop3A_424 = tpu.memref_slice %arg7[%parallel_loop3A_240, %parallel_loop3A_422, %parallel_loop3A_423] : memref<2x128x128xf32, #tpu.memory_space<vmem>> -> memref<1x128x128xf32, #tpu.memory_space<vmem>>
        %parallel_loop3A_425 = tpu.memref_squeeze %parallel_loop3A_424 : memref<1x128x128xf32, #tpu.memory_space<vmem>> -> memref<128x128xf32, #tpu.memory_space<vmem>>
        %parallel_loop3A_426 = arith.index_cast %parallel_loop3A_388 : i32 to index
        %parallel_loop3A_427 = arith.constant 32 : index
        %parallel_loop3A_428 = tpu.vector_load %parallel_loop3A_425[%parallel_loop3A_426, %parallel_loop3A_427] {strides = array<i32>} : memref<128x128xf32, #tpu.memory_space<vmem>>, vector<16xf32>,
        tpu.vector_store %parallel_loop3A_425[%parallel_loop3A_426, %parallel_loop3A_427], %parallel_loop3A_421 {strides = array<i32>} : memref<128x128xf32, #tpu.memory_space<vmem>>, vector<16xf32>,
        %parallel_loop3A_429 = arith.constant 0 : i32
        %parallel_loop3A_430 = arith.constant 0 : i32
        %parallel_loop3A_431 = tpu.memref_slice %arg6[%parallel_loop3A_239, %parallel_loop3A_429, %parallel_loop3A_430] : memref<4x64x128xf32, #tpu.memory_space<vmem>> -> memref<1x64x128xf32, #tpu.memory_space<vmem>>
        %parallel_loop3A_432 = tpu.memref_squeeze %parallel_loop3A_431 : memref<1x64x128xf32, #tpu.memory_space<vmem>> -> memref<64x128xf32, #tpu.memory_space<vmem>>
        %parallel_loop3A_433 = tpu.vector_load_idx %parallel_loop3A_432[%add3A_12, %parallel_loop3A_392] : memref<64x128xf32, #tpu.memory_space<vmem>>[vector<16xi32>, vector<16xi32>], vector<16xf32>,
        %parallel_loop3A_434 = arith.constant 0 : i32
        %parallel_loop3A_435 = arith.constant 0 : i32
        %parallel_loop3A_436 = tpu.memref_slice %arg7[%parallel_loop3A_240, %parallel_loop3A_434, %parallel_loop3A_435] : memref<2x128x128xf32, #tpu.memory_space<vmem>> -> memref<1x128x128xf32, #tpu.memory_space<vmem>>
        %parallel_loop3A_437 = tpu.memref_squeeze %parallel_loop3A_436 : memref<1x128x128xf32, #tpu.memory_space<vmem>> -> memref<128x128xf32, #tpu.memory_space<vmem>>
        %parallel_loop3A_438 = arith.index_cast %parallel_loop3A_388 : i32 to index
        %parallel_loop3A_439 = arith.constant 48 : index
        %parallel_loop3A_440 = tpu.vector_load %parallel_loop3A_437[%parallel_loop3A_438, %parallel_loop3A_439] {strides = array<i32>} : memref<128x128xf32, #tpu.memory_space<vmem>>, vector<16xf32>,
        tpu.vector_store %parallel_loop3A_437[%parallel_loop3A_438, %parallel_loop3A_439], %parallel_loop3A_433 {strides = array<i32>} : memref<128x128xf32, #tpu.memory_space<vmem>>, vector<16xf32>,
        %parallel_loop3A_441 = arith.constant 0 : i32
        %parallel_loop3A_442 = arith.constant 0 : i32
        %parallel_loop3A_443 = tpu.memref_slice %arg6[%parallel_loop3A_239, %parallel_loop3A_441, %parallel_loop3A_442] : memref<4x64x128xf32, #tpu.memory_space<vmem>> -> memref<1x64x128xf32, #tpu.memory_space<vmem>>
        %parallel_loop3A_444 = tpu.memref_squeeze %parallel_loop3A_443 : memref<1x64x128xf32, #tpu.memory_space<vmem>> -> memref<64x128xf32, #tpu.memory_space<vmem>>
        %parallel_loop3A_445 = arith.index_cast %parallel_loop3A_388 : i32 to index
        %parallel_loop3A_446 = arith.constant 64 : index
        %parallel_loop3A_447 = tpu.vector_load %parallel_loop3A_444[%parallel_loop3A_445, %parallel_loop3A_446] {strides = array<i32>} : memref<64x128xf32, #tpu.memory_space<vmem>>, vector<16xf32>,
        %parallel_loop3A_448 = arith.constant 0 : i32
        %parallel_loop3A_449 = arith.constant 0 : i32
        %parallel_loop3A_450 = tpu.memref_slice %arg7[%parallel_loop3A_240, %parallel_loop3A_448, %parallel_loop3A_449] : memref<2x128x128xf32, #tpu.memory_space<vmem>> -> memref<1x128x128xf32, #tpu.memory_space<vmem>>
        %parallel_loop3A_451 = tpu.memref_squeeze %parallel_loop3A_450 : memref<1x128x128xf32, #tpu.memory_space<vmem>> -> memref<128x128xf32, #tpu.memory_space<vmem>>
        tpu.vector_store_idx %parallel_loop3A_451[%add3A_27, %parallel_loop3A_392], %parallel_loop3A_447 : memref<128x128xf32, #tpu.memory_space<vmem>>[vector<16xi32>, vector<16xi32>], vector<16xf32>,
        %parallel_loop3A_452 = arith.constant 0 : i32
        %parallel_loop3A_453 = arith.constant 0 : i32
        %parallel_loop3A_454 = tpu.memref_slice %arg6[%parallel_loop3A_239, %parallel_loop3A_452, %parallel_loop3A_453] : memref<4x64x128xf32, #tpu.memory_space<vmem>> -> memref<1x64x128xf32, #tpu.memory_space<vmem>>
        %parallel_loop3A_455 = tpu.memref_squeeze %parallel_loop3A_454 : memref<1x64x128xf32, #tpu.memory_space<vmem>> -> memref<64x128xf32, #tpu.memory_space<vmem>>
        %parallel_loop3A_456 = arith.index_cast %parallel_loop3A_388 : i32 to index
        %parallel_loop3A_457 = arith.constant 80 : index
        %parallel_loop3A_458 = tpu.vector_load %parallel_loop3A_455[%parallel_loop3A_456, %parallel_loop3A_457] {strides = array<i32>} : memref<64x128xf32, #tpu.memory_space<vmem>>, vector<16xf32>,
        %parallel_loop3A_459 = arith.constant 0 : i32
        %parallel_loop3A_460 = arith.constant 0 : i32
        %parallel_loop3A_461 = tpu.memref_slice %arg7[%parallel_loop3A_240, %parallel_loop3A_459, %parallel_loop3A_460] : memref<2x128x128xf32, #tpu.memory_space<vmem>> -> memref<1x128x128xf32, #tpu.memory_space<vmem>>
        %parallel_loop3A_462 = tpu.memref_squeeze %parallel_loop3A_461 : memref<1x128x128xf32, #tpu.memory_space<vmem>> -> memref<128x128xf32, #tpu.memory_space<vmem>>
        tpu.vector_store_idx %parallel_loop3A_462[%add3A_30, %parallel_loop3A_392], %parallel_loop3A_458 : memref<128x128xf32, #tpu.memory_space<vmem>>[vector<16xi32>, vector<16xi32>], vector<16xf32>,
        %parallel_loop3A_463 = arith.constant 0 : i32
        %parallel_loop3A_464 = arith.constant 0 : i32
        %parallel_loop3A_465 = tpu.memref_slice %arg6[%parallel_loop3A_239, %parallel_loop3A_463, %parallel_loop3A_464] : memref<4x64x128xf32, #tpu.memory_space<vmem>> -> memref<1x64x128xf32, #tpu.memory_space<vmem>>
        %parallel_loop3A_466 = tpu.memref_squeeze %parallel_loop3A_465 : memref<1x64x128xf32, #tpu.memory_space<vmem>> -> memref<64x128xf32, #tpu.memory_space<vmem>>
        %parallel_loop3A_467 = arith.index_cast %parallel_loop3A_388 : i32 to index
        %parallel_loop3A_468 = arith.constant 96 : index
        %parallel_loop3A_469 = tpu.vector_load %parallel_loop3A_466[%parallel_loop3A_467, %parallel_loop3A_468] {strides = array<i32>} : memref<64x128xf32, #tpu.memory_space<vmem>>, vector<16xf32>,
        %parallel_loop3A_470 = arith.constant 0 : i32
        %parallel_loop3A_471 = arith.constant 0 : i32
        %parallel_loop3A_472 = tpu.memref_slice %arg7[%parallel_loop3A_240, %parallel_loop3A_470, %parallel_loop3A_471] : memref<2x128x128xf32, #tpu.memory_space<vmem>> -> memref<1x128x128xf32, #tpu.memory_space<vmem>>
        %parallel_loop3A_473 = tpu.memref_squeeze %parallel_loop3A_472 : memref<1x128x128xf32, #tpu.memory_space<vmem>> -> memref<128x128xf32, #tpu.memory_space<vmem>>
        tpu.vector_store_idx %parallel_loop3A_473[%add3A_33, %parallel_loop3A_392], %parallel_loop3A_469 : memref<128x128xf32, #tpu.memory_space<vmem>>[vector<16xi32>, vector<16xi32>], vector<16xf32>,
        %parallel_loop3A_474 = arith.constant 0 : i32
        %parallel_loop3A_475 = arith.constant 0 : i32
        %parallel_loop3A_476 = tpu.memref_slice %arg6[%parallel_loop3A_239, %parallel_loop3A_474, %parallel_loop3A_475] : memref<4x64x128xf32, #tpu.memory_space<vmem>> -> memref<1x64x128xf32, #tpu.memory_space<vmem>>
        %parallel_loop3A_477 = tpu.memref_squeeze %parallel_loop3A_476 : memref<1x64x128xf32, #tpu.memory_space<vmem>> -> memref<64x128xf32, #tpu.memory_space<vmem>>
        %parallel_loop3A_478 = arith.index_cast %parallel_loop3A_388 : i32 to index
        %parallel_loop3A_479 = arith.constant 112 : index
        %parallel_loop3A_480 = tpu.vector_load %parallel_loop3A_477[%parallel_loop3A_478, %parallel_loop3A_479] {strides = array<i32>} : memref<64x128xf32, #tpu.memory_space<vmem>>, vector<16xf32>,
        %parallel_loop3A_481 = arith.constant 0 : i32
        %parallel_loop3A_482 = arith.constant 0 : i32
        %parallel_loop3A_483 = tpu.memref_slice %arg7[%parallel_loop3A_240, %parallel_loop3A_481, %parallel_loop3A_482] : memref<2x128x128xf32, #tpu.memory_space<vmem>> -> memref<1x128x128xf32, #tpu.memory_space<vmem>>
        %parallel_loop3A_484 = tpu.memref_squeeze %parallel_loop3A_483 : memref<1x128x128xf32, #tpu.memory_space<vmem>> -> memref<128x128xf32, #tpu.memory_space<vmem>>
        tpu.vector_store_idx %parallel_loop3A_484[%add3A_36, %parallel_loop3A_392], %parallel_loop3A_480 : memref<128x128xf32, #tpu.memory_space<vmem>>[vector<16xi32>, vector<16xi32>], vector<16xf32>,
      } {sc.loop_unroll_factor = 1 : i64, sc.parallel_access}
      %dma_start3A_241 = arith.constant 1 : i32
      %dma_start3A_242 = arith.constant 1 : i32
      %dma_start3A_243 = arith.constant 0 : i32
      %dma_start3A_244 = arith.constant 0 : i32
      %dma_start3A_245 = tpu.memref_slice %arg7[%dma_start3A_241, %dma_start3A_243, %dma_start3A_244] : memref<2x128x128xf32, #tpu.memory_space<vmem>> -> memref<1x128x128xf32, #tpu.memory_space<vmem>>
      %dma_start3A_246 = tpu.memref_squeeze %dma_start3A_245 : memref<1x128x128xf32, #tpu.memory_space<vmem>> -> memref<128x128xf32, #tpu.memory_space<vmem>>
      %dma_start3A_247 = arith.constant 0 : i32
      %dma_start3A_248 = tpu.memref_slice %arg5[%add3A_187, %dma_start3A_247] : memref<96x128xi32, #tpu.memory_space<vmem>> -> memref<1x128xi32, #tpu.memory_space<vmem>>
      %dma_start3A_249 = tpu.memref_squeeze %dma_start3A_248 : memref<1x128xi32, #tpu.memory_space<vmem>> -> memref<128xi32, #tpu.memory_space<vmem>>
      %dma_start3A_250 = arith.constant 0 : i32
      %dma_start3A_251 = arith.constant 0 : i32
      %dma_start3A_252 = tpu.memref_slice %arg4[%dma_start3A_250, %dma_start3A_251] : memref<393216x128xf32, #tpu.memory_space<hbm>> -> memref<393216x128xf32, #tpu.memory_space<hbm>>
      %dma_start3A_253 = tpu.memref_slice %arg9[%dma_start3A_242] : memref<2x!tpu.dma_semaphore, #tpu.memory_space<semaphore_mem>> -> memref<1x!tpu.dma_semaphore, #tpu.memory_space<semaphore_mem>>
      %dma_start3A_254 = tpu.memref_squeeze %dma_start3A_253 : memref<1x!tpu.dma_semaphore, #tpu.memory_space<semaphore_mem>> -> memref<!tpu.dma_semaphore, #tpu.memory_space<semaphore_mem>>
      tpu.enqueue_indirect_dma source(%dma_start3A_246 : memref<128x128xf32, #tpu.memory_space<vmem>>) target(%dma_start3A_252 : memref<393216x128xf32, #tpu.memory_space<hbm>>) offsets(%dma_start3A_249 : memref<128xi32, #tpu.memory_space<vmem>>) semaphore(%dma_start3A_254 : memref<!tpu.dma_semaphore, #tpu.memory_space<semaphore_mem>>)
      %mul3A_255 = arith.constant 4 : i32
      %mul3A_256 = arith.muli %scan3A_116, %mul3A_255 : i32
      %add3A_257 = arith.constant 2 : i32
      %add3A_258 = arith.addi %mul3A_256, %add3A_257 : i32
      %dma_wait3A_259 = arith.constant 0 : i32
      %dma_wait3A_260 = arith.constant 2 : i32
      %dma_wait3A_261 = arith.constant 2 : i32
      %dma_wait3A_262 = arith.constant 0 : i32
      %dma_wait3A_263 = arith.constant 0 : i32
      %dma_wait3A_264 = tpu.memref_slice %arg6[%dma_wait3A_260, %dma_wait3A_262, %dma_wait3A_263] : memref<4x64x128xf32, #tpu.memory_space<vmem>> -> memref<1x64x128xf32, #tpu.memory_space<vmem>>
      %dma_wait3A_265 = tpu.memref_squeeze %dma_wait3A_264 : memref<1x64x128xf32, #tpu.memory_space<vmem>> -> memref<64x128xf32, #tpu.memory_space<vmem>>
      %dma_wait3A_266 = arith.constant 0 : i32
      %dma_wait3A_267 = arith.constant 0 : i32
      %dma_wait3A_268 = tpu.memref_slice %arg2[%dma_wait3A_259, %dma_wait3A_266, %dma_wait3A_267] : memref<32x64x12288xf32, #tpu.memory_space<hbm>> -> memref<1x64x128xf32, #tpu.memory_space<hbm>>
      %dma_wait3A_269 = tpu.memref_squeeze %dma_wait3A_268 : memref<1x64x128xf32, #tpu.memory_space<hbm>> -> memref<64x128xf32, #tpu.memory_space<hbm>>
      %dma_wait3A_270 = tpu.memref_slice %arg8[%dma_wait3A_261] : memref<4x!tpu.dma_semaphore, #tpu.memory_space<semaphore_mem>> -> memref<1x!tpu.dma_semaphore, #tpu.memory_space<semaphore_mem>>
      %dma_wait3A_271 = tpu.memref_squeeze %dma_wait3A_270 : memref<1x!tpu.dma_semaphore, #tpu.memory_space<semaphore_mem>> -> memref<!tpu.dma_semaphore, #tpu.memory_space<semaphore_mem>>
      %dma_wait3A_272 = arith.constant 0 : i32
      %dma_wait3A_273 = arith.constant 0 : i32
      %dma_wait3A_274 = tpu.memref_slice %arg6[%dma_wait3A_260, %dma_wait3A_272, %dma_wait3A_273] : memref<4x64x128xf32, #tpu.memory_space<vmem>> -> memref<1x64x128xf32, #tpu.memory_space<vmem>>
      %dma_wait3A_275 = tpu.memref_squeeze %dma_wait3A_274 : memref<1x64x128xf32, #tpu.memory_space<vmem>> -> memref<64x128xf32, #tpu.memory_space<vmem>>
      %dma_wait3A_276 = arith.constant 0 : i32
      %dma_wait3A_277 = arith.constant 0 : i32
      %dma_wait3A_278 = tpu.memref_slice %arg2[%dma_wait3A_259, %dma_wait3A_276, %dma_wait3A_277] : memref<32x64x12288xf32, #tpu.memory_space<hbm>> -> memref<1x64x128xf32, #tpu.memory_space<hbm>>
      %dma_wait3A_279 = tpu.memref_squeeze %dma_wait3A_278 : memref<1x64x128xf32, #tpu.memory_space<hbm>> -> memref<64x128xf32, #tpu.memory_space<hbm>>
      tpu.wait_dma2 semaphore(%dma_wait3A_271 : memref<!tpu.dma_semaphore, #tpu.memory_space<semaphore_mem>>) src(%dma_wait3A_279 : memref<64x128xf32, #tpu.memory_space<hbm>>) dst(%dma_wait3A_275 : memref<64x128xf32, #tpu.memory_space<vmem>>)
      %lt3A = arith.constant 23 : i32
      %lt3A_280 = arith.cmpi slt, %scan3A_116, %lt3A : i32
      %convert_element_type3A_281 = arith.extui %lt3A_280 : i1 to i32
      %cond3A_282 = arith.constant 0 : i32
      %cond3A_283 = arith.cmpi ne, %convert_element_type3A_281, %cond3A_282 : i32
      scf.if %cond3A_283 {
        %add3A_388 = arith.constant 2 : i32
        %add3A_389 = arith.addi %add3A_258, %add3A_388 : i32
        %mul3A_390 = arith.constant 128 : i32
        %mul3A_391 = arith.muli %add3A_389, %mul3A_390 : i32
        %dma_start3A_392 = arith.constant 0 : i32
        %dma_start3A_393 = arith.constant 0 : i32
        %dma_start3A_394 = arith.constant 0 : i32
        %dma_start3A_395 = arith.constant 0 : i32
        %dma_start3A_396 = tpu.memref_slice %arg6[%dma_start3A_392, %dma_start3A_394, %dma_start3A_395] : memref<4x64x128xf32, #tpu.memory_space<vmem>> -> memref<1x64x128xf32, #tpu.memory_space<vmem>>
        %dma_start3A_397 = tpu.memref_squeeze %dma_start3A_396 : memref<1x64x128xf32, #tpu.memory_space<vmem>> -> memref<64x128xf32, #tpu.memory_space<vmem>>
        %dma_start3A_398 = arith.constant 0 : i32
        %dma_start3A_399 = tpu.memref_slice %arg2[%add3A, %dma_start3A_398, %mul3A_391] : memref<32x64x12288xf32, #tpu.memory_space<hbm>> -> memref<1x64x128xf32, #tpu.memory_space<hbm>>
        %dma_start3A_400 = tpu.memref_squeeze %dma_start3A_399 : memref<1x64x128xf32, #tpu.memory_space<hbm>> -> memref<64x128xf32, #tpu.memory_space<hbm>>
        %dma_start3A_401 = tpu.memref_slice %arg8[%dma_start3A_393] : memref<4x!tpu.dma_semaphore, #tpu.memory_space<semaphore_mem>> -> memref<1x!tpu.dma_semaphore, #tpu.memory_space<semaphore_mem>>
        %dma_start3A_402 = tpu.memref_squeeze %dma_start3A_401 : memref<1x!tpu.dma_semaphore, #tpu.memory_space<semaphore_mem>> -> memref<!tpu.dma_semaphore, #tpu.memory_space<semaphore_mem>>
        %dma_start3A_403 = arith.constant 0 : i32
        %dma_start3A_404 = arith.constant 0 : i32
        %dma_start3A_405 = tpu.memref_slice %arg6[%dma_start3A_392, %dma_start3A_403, %dma_start3A_404] : memref<4x64x128xf32, #tpu.memory_space<vmem>> -> memref<1x64x128xf32, #tpu.memory_space<vmem>>
        %dma_start3A_406 = tpu.memref_squeeze %dma_start3A_405 : memref<1x64x128xf32, #tpu.memory_space<vmem>> -> memref<64x128xf32, #tpu.memory_space<vmem>>
        %dma_start3A_407 = arith.constant 0 : i32
        %dma_start3A_408 = tpu.memref_slice %arg2[%add3A, %dma_start3A_407, %mul3A_391] : memref<32x64x12288xf32, #tpu.memory_space<hbm>> -> memref<1x64x128xf32, #tpu.memory_space<hbm>>
        %dma_start3A_409 = tpu.memref_squeeze %dma_start3A_408 : memref<1x64x128xf32, #tpu.memory_space<hbm>> -> memref<64x128xf32, #tpu.memory_space<hbm>>
        tpu.enqueue_dma source(%dma_start3A_409 : memref<64x128xf32, #tpu.memory_space<hbm>>) target(%dma_start3A_406 : memref<64x128xf32, #tpu.memory_space<vmem>>) target_semaphore(%dma_start3A_402 : memref<!tpu.dma_semaphore, #tpu.memory_space<semaphore_mem>>)
      } else {
      }
      %dma_wait3A_284 = arith.constant 0 : i32
      %dma_wait3A_285 = arith.constant 0 : i32
      %dma_wait3A_286 = arith.constant 0 : i32
      %dma_wait3A_287 = arith.constant 0 : i32
      %dma_wait3A_288 = tpu.memref_slice %arg7[%dma_wait3A_284, %dma_wait3A_286, %dma_wait3A_287] : memref<2x128x128xf32, #tpu.memory_space<vmem>> -> memref<1x128x128xf32, #tpu.memory_space<vmem>>
      %dma_wait3A_289 = tpu.memref_squeeze %dma_wait3A_288 : memref<1x128x128xf32, #tpu.memory_space<vmem>> -> memref<128x128xf32, #tpu.memory_space<vmem>>
      %dma_wait3A_290 = arith.constant 0 : i32
      %dma_wait3A_291 = arith.constant 0 : i32
      %dma_wait3A_292 = tpu.memref_slice %arg4[%dma_wait3A_290, %dma_wait3A_291] : memref<393216x128xf32, #tpu.memory_space<hbm>> -> memref<128x128xf32, #tpu.memory_space<hbm>>
      %dma_wait3A_293 = tpu.memref_slice %arg9[%dma_wait3A_285] : memref<2x!tpu.dma_semaphore, #tpu.memory_space<semaphore_mem>> -> memref<1x!tpu.dma_semaphore, #tpu.memory_space<semaphore_mem>>
      %dma_wait3A_294 = tpu.memref_squeeze %dma_wait3A_293 : memref<1x!tpu.dma_semaphore, #tpu.memory_space<semaphore_mem>> -> memref<!tpu.dma_semaphore, #tpu.memory_space<semaphore_mem>>
      %dma_wait3A_295 = arith.constant 0 : i32
      %dma_wait3A_296 = arith.constant 0 : i32
      %dma_wait3A_297 = tpu.memref_slice %arg4[%dma_wait3A_295, %dma_wait3A_296] : memref<393216x128xf32, #tpu.memory_space<hbm>> -> memref<128x128xf32, #tpu.memory_space<hbm>>
      %dma_wait3A_298 = arith.constant 0 : i32
      %dma_wait3A_299 = arith.constant 0 : i32
      %dma_wait3A_300 = tpu.memref_slice %arg7[%dma_wait3A_284, %dma_wait3A_298, %dma_wait3A_299] : memref<2x128x128xf32, #tpu.memory_space<vmem>> -> memref<1x128x128xf32, #tpu.memory_space<vmem>>
      %dma_wait3A_301 = tpu.memref_squeeze %dma_wait3A_300 : memref<1x128x128xf32, #tpu.memory_space<vmem>> -> memref<128x128xf32, #tpu.memory_space<vmem>>
      tpu.wait_dma2 semaphore(%dma_wait3A_294 : memref<!tpu.dma_semaphore, #tpu.memory_space<semaphore_mem>>) src(%dma_wait3A_301 : memref<128x128xf32, #tpu.memory_space<vmem>>) dst(%dma_wait3A_297 : memref<128x128xf32, #tpu.memory_space<hbm>>)
      %parallel_loop3A_302 = arith.constant 0 : i32
      %parallel_loop3A_303 = arith.constant 64 : i32
      %parallel_loop3A_304 = arith.constant 1 : i32
      %parallel_loop3A_305 = arith.constant 2 : i32
      %parallel_loop3A_306 = arith.constant 0 : i32
      scf.for %parallel_loop3A_388 = %parallel_loop3A_302 to %parallel_loop3A_303 step %parallel_loop3A_304  : i32 {
        %parallel_loop3A_389 = arith.constant 0 : i32
        %parallel_loop3A_390 = vector.broadcast %parallel_loop3A_389 : i32 to vector<16xi32>
        %parallel_loop3A_391 = vector.broadcast %parallel_loop3A_388 : i32 to vector<16xi32>
        %parallel_loop3A_392 = arith.addi %parallel_loop3A_390, %parallel_loop3A_391 : vector<16xi32>
        %parallel_loop3A_393 = arith.constant 0 : i32
        %parallel_loop3A_394 = arith.constant 0 : i32
        %parallel_loop3A_395 = tpu.memref_slice %arg6[%parallel_loop3A_305, %parallel_loop3A_393, %parallel_loop3A_394] : memref<4x64x128xf32, #tpu.memory_space<vmem>> -> memref<1x64x128xf32, #tpu.memory_space<vmem>>
        %parallel_loop3A_396 = tpu.memref_squeeze %parallel_loop3A_395 : memref<1x64x128xf32, #tpu.memory_space<vmem>> -> memref<64x128xf32, #tpu.memory_space<vmem>>
        %parallel_loop3A_397 = tpu.vector_load_idx %parallel_loop3A_396[%add3A_3, %parallel_loop3A_392] : memref<64x128xf32, #tpu.memory_space<vmem>>[vector<16xi32>, vector<16xi32>], vector<16xf32>,
        %parallel_loop3A_398 = arith.constant 0 : i32
        %parallel_loop3A_399 = arith.constant 0 : i32
        %parallel_loop3A_400 = tpu.memref_slice %arg7[%parallel_loop3A_306, %parallel_loop3A_398, %parallel_loop3A_399] : memref<2x128x128xf32, #tpu.memory_space<vmem>> -> memref<1x128x128xf32, #tpu.memory_space<vmem>>
        %parallel_loop3A_401 = tpu.memref_squeeze %parallel_loop3A_400 : memref<1x128x128xf32, #tpu.memory_space<vmem>> -> memref<128x128xf32, #tpu.memory_space<vmem>>
        %parallel_loop3A_402 = arith.index_cast %parallel_loop3A_388 : i32 to index
        %parallel_loop3A_403 = arith.constant 0 : index
        %parallel_loop3A_404 = tpu.vector_load %parallel_loop3A_401[%parallel_loop3A_402, %parallel_loop3A_403] {strides = array<i32>} : memref<128x128xf32, #tpu.memory_space<vmem>>, vector<16xf32>,
        tpu.vector_store %parallel_loop3A_401[%parallel_loop3A_402, %parallel_loop3A_403], %parallel_loop3A_397 {strides = array<i32>} : memref<128x128xf32, #tpu.memory_space<vmem>>, vector<16xf32>,
        %parallel_loop3A_405 = arith.constant 0 : i32
        %parallel_loop3A_406 = arith.constant 0 : i32
        %parallel_loop3A_407 = tpu.memref_slice %arg6[%parallel_loop3A_305, %parallel_loop3A_405, %parallel_loop3A_406] : memref<4x64x128xf32, #tpu.memory_space<vmem>> -> memref<1x64x128xf32, #tpu.memory_space<vmem>>
        %parallel_loop3A_408 = tpu.memref_squeeze %parallel_loop3A_407 : memref<1x64x128xf32, #tpu.memory_space<vmem>> -> memref<64x128xf32, #tpu.memory_space<vmem>>
        %parallel_loop3A_409 = tpu.vector_load_idx %parallel_loop3A_408[%add3A_6, %parallel_loop3A_392] : memref<64x128xf32, #tpu.memory_space<vmem>>[vector<16xi32>, vector<16xi32>], vector<16xf32>,
        %parallel_loop3A_410 = arith.constant 0 : i32
        %parallel_loop3A_411 = arith.constant 0 : i32
        %parallel_loop3A_412 = tpu.memref_slice %arg7[%parallel_loop3A_306, %parallel_loop3A_410, %parallel_loop3A_411] : memref<2x128x128xf32, #tpu.memory_space<vmem>> -> memref<1x128x128xf32, #tpu.memory_space<vmem>>
        %parallel_loop3A_413 = tpu.memref_squeeze %parallel_loop3A_412 : memref<1x128x128xf32, #tpu.memory_space<vmem>> -> memref<128x128xf32, #tpu.memory_space<vmem>>
        %parallel_loop3A_414 = arith.index_cast %parallel_loop3A_388 : i32 to index
        %parallel_loop3A_415 = arith.constant 16 : index
        %parallel_loop3A_416 = tpu.vector_load %parallel_loop3A_413[%parallel_loop3A_414, %parallel_loop3A_415] {strides = array<i32>} : memref<128x128xf32, #tpu.memory_space<vmem>>, vector<16xf32>,
        tpu.vector_store %parallel_loop3A_413[%parallel_loop3A_414, %parallel_loop3A_415], %parallel_loop3A_409 {strides = array<i32>} : memref<128x128xf32, #tpu.memory_space<vmem>>, vector<16xf32>,
        %parallel_loop3A_417 = arith.constant 0 : i32
        %parallel_loop3A_418 = arith.constant 0 : i32
        %parallel_loop3A_419 = tpu.memref_slice %arg6[%parallel_loop3A_305, %parallel_loop3A_417, %parallel_loop3A_418] : memref<4x64x128xf32, #tpu.memory_space<vmem>> -> memref<1x64x128xf32, #tpu.memory_space<vmem>>
        %parallel_loop3A_420 = tpu.memref_squeeze %parallel_loop3A_419 : memref<1x64x128xf32, #tpu.memory_space<vmem>> -> memref<64x128xf32, #tpu.memory_space<vmem>>
        %parallel_loop3A_421 = tpu.vector_load_idx %parallel_loop3A_420[%add3A_9, %parallel_loop3A_392] : memref<64x128xf32, #tpu.memory_space<vmem>>[vector<16xi32>, vector<16xi32>], vector<16xf32>,
        %parallel_loop3A_422 = arith.constant 0 : i32
        %parallel_loop3A_423 = arith.constant 0 : i32
        %parallel_loop3A_424 = tpu.memref_slice %arg7[%parallel_loop3A_306, %parallel_loop3A_422, %parallel_loop3A_423] : memref<2x128x128xf32, #tpu.memory_space<vmem>> -> memref<1x128x128xf32, #tpu.memory_space<vmem>>
        %parallel_loop3A_425 = tpu.memref_squeeze %parallel_loop3A_424 : memref<1x128x128xf32, #tpu.memory_space<vmem>> -> memref<128x128xf32, #tpu.memory_space<vmem>>
        %parallel_loop3A_426 = arith.index_cast %parallel_loop3A_388 : i32 to index
        %parallel_loop3A_427 = arith.constant 32 : index
        %parallel_loop3A_428 = tpu.vector_load %parallel_loop3A_425[%parallel_loop3A_426, %parallel_loop3A_427] {strides = array<i32>} : memref<128x128xf32, #tpu.memory_space<vmem>>, vector<16xf32>,
        tpu.vector_store %parallel_loop3A_425[%parallel_loop3A_426, %parallel_loop3A_427], %parallel_loop3A_421 {strides = array<i32>} : memref<128x128xf32, #tpu.memory_space<vmem>>, vector<16xf32>,
        %parallel_loop3A_429 = arith.constant 0 : i32
        %parallel_loop3A_430 = arith.constant 0 : i32
        %parallel_loop3A_431 = tpu.memref_slice %arg6[%parallel_loop3A_305, %parallel_loop3A_429, %parallel_loop3A_430] : memref<4x64x128xf32, #tpu.memory_space<vmem>> -> memref<1x64x128xf32, #tpu.memory_space<vmem>>
        %parallel_loop3A_432 = tpu.memref_squeeze %parallel_loop3A_431 : memref<1x64x128xf32, #tpu.memory_space<vmem>> -> memref<64x128xf32, #tpu.memory_space<vmem>>
        %parallel_loop3A_433 = tpu.vector_load_idx %parallel_loop3A_432[%add3A_12, %parallel_loop3A_392] : memref<64x128xf32, #tpu.memory_space<vmem>>[vector<16xi32>, vector<16xi32>], vector<16xf32>,
        %parallel_loop3A_434 = arith.constant 0 : i32
        %parallel_loop3A_435 = arith.constant 0 : i32
        %parallel_loop3A_436 = tpu.memref_slice %arg7[%parallel_loop3A_306, %parallel_loop3A_434, %parallel_loop3A_435] : memref<2x128x128xf32, #tpu.memory_space<vmem>> -> memref<1x128x128xf32, #tpu.memory_space<vmem>>
        %parallel_loop3A_437 = tpu.memref_squeeze %parallel_loop3A_436 : memref<1x128x128xf32, #tpu.memory_space<vmem>> -> memref<128x128xf32, #tpu.memory_space<vmem>>
        %parallel_loop3A_438 = arith.index_cast %parallel_loop3A_388 : i32 to index
        %parallel_loop3A_439 = arith.constant 48 : index
        %parallel_loop3A_440 = tpu.vector_load %parallel_loop3A_437[%parallel_loop3A_438, %parallel_loop3A_439] {strides = array<i32>} : memref<128x128xf32, #tpu.memory_space<vmem>>, vector<16xf32>,
        tpu.vector_store %parallel_loop3A_437[%parallel_loop3A_438, %parallel_loop3A_439], %parallel_loop3A_433 {strides = array<i32>} : memref<128x128xf32, #tpu.memory_space<vmem>>, vector<16xf32>,
        %parallel_loop3A_441 = arith.constant 0 : i32
        %parallel_loop3A_442 = arith.constant 0 : i32
        %parallel_loop3A_443 = tpu.memref_slice %arg6[%parallel_loop3A_305, %parallel_loop3A_441, %parallel_loop3A_442] : memref<4x64x128xf32, #tpu.memory_space<vmem>> -> memref<1x64x128xf32, #tpu.memory_space<vmem>>
        %parallel_loop3A_444 = tpu.memref_squeeze %parallel_loop3A_443 : memref<1x64x128xf32, #tpu.memory_space<vmem>> -> memref<64x128xf32, #tpu.memory_space<vmem>>
        %parallel_loop3A_445 = arith.index_cast %parallel_loop3A_388 : i32 to index
        %parallel_loop3A_446 = arith.constant 64 : index
        %parallel_loop3A_447 = tpu.vector_load %parallel_loop3A_444[%parallel_loop3A_445, %parallel_loop3A_446] {strides = array<i32>} : memref<64x128xf32, #tpu.memory_space<vmem>>, vector<16xf32>,
        %parallel_loop3A_448 = arith.constant 0 : i32
        %parallel_loop3A_449 = arith.constant 0 : i32
        %parallel_loop3A_450 = tpu.memref_slice %arg7[%parallel_loop3A_306, %parallel_loop3A_448, %parallel_loop3A_449] : memref<2x128x128xf32, #tpu.memory_space<vmem>> -> memref<1x128x128xf32, #tpu.memory_space<vmem>>
        %parallel_loop3A_451 = tpu.memref_squeeze %parallel_loop3A_450 : memref<1x128x128xf32, #tpu.memory_space<vmem>> -> memref<128x128xf32, #tpu.memory_space<vmem>>
        tpu.vector_store_idx %parallel_loop3A_451[%add3A_27, %parallel_loop3A_392], %parallel_loop3A_447 : memref<128x128xf32, #tpu.memory_space<vmem>>[vector<16xi32>, vector<16xi32>], vector<16xf32>,
        %parallel_loop3A_452 = arith.constant 0 : i32
        %parallel_loop3A_453 = arith.constant 0 : i32
        %parallel_loop3A_454 = tpu.memref_slice %arg6[%parallel_loop3A_305, %parallel_loop3A_452, %parallel_loop3A_453] : memref<4x64x128xf32, #tpu.memory_space<vmem>> -> memref<1x64x128xf32, #tpu.memory_space<vmem>>
        %parallel_loop3A_455 = tpu.memref_squeeze %parallel_loop3A_454 : memref<1x64x128xf32, #tpu.memory_space<vmem>> -> memref<64x128xf32, #tpu.memory_space<vmem>>
        %parallel_loop3A_456 = arith.index_cast %parallel_loop3A_388 : i32 to index
        %parallel_loop3A_457 = arith.constant 80 : index
        %parallel_loop3A_458 = tpu.vector_load %parallel_loop3A_455[%parallel_loop3A_456, %parallel_loop3A_457] {strides = array<i32>} : memref<64x128xf32, #tpu.memory_space<vmem>>, vector<16xf32>,
        %parallel_loop3A_459 = arith.constant 0 : i32
        %parallel_loop3A_460 = arith.constant 0 : i32
        %parallel_loop3A_461 = tpu.memref_slice %arg7[%parallel_loop3A_306, %parallel_loop3A_459, %parallel_loop3A_460] : memref<2x128x128xf32, #tpu.memory_space<vmem>> -> memref<1x128x128xf32, #tpu.memory_space<vmem>>
        %parallel_loop3A_462 = tpu.memref_squeeze %parallel_loop3A_461 : memref<1x128x128xf32, #tpu.memory_space<vmem>> -> memref<128x128xf32, #tpu.memory_space<vmem>>
        tpu.vector_store_idx %parallel_loop3A_462[%add3A_30, %parallel_loop3A_392], %parallel_loop3A_458 : memref<128x128xf32, #tpu.memory_space<vmem>>[vector<16xi32>, vector<16xi32>], vector<16xf32>,
        %parallel_loop3A_463 = arith.constant 0 : i32
        %parallel_loop3A_464 = arith.constant 0 : i32
        %parallel_loop3A_465 = tpu.memref_slice %arg6[%parallel_loop3A_305, %parallel_loop3A_463, %parallel_loop3A_464] : memref<4x64x128xf32, #tpu.memory_space<vmem>> -> memref<1x64x128xf32, #tpu.memory_space<vmem>>
        %parallel_loop3A_466 = tpu.memref_squeeze %parallel_loop3A_465 : memref<1x64x128xf32, #tpu.memory_space<vmem>> -> memref<64x128xf32, #tpu.memory_space<vmem>>
        %parallel_loop3A_467 = arith.index_cast %parallel_loop3A_388 : i32 to index
        %parallel_loop3A_468 = arith.constant 96 : index
        %parallel_loop3A_469 = tpu.vector_load %parallel_loop3A_466[%parallel_loop3A_467, %parallel_loop3A_468] {strides = array<i32>} : memref<64x128xf32, #tpu.memory_space<vmem>>, vector<16xf32>,
        %parallel_loop3A_470 = arith.constant 0 : i32
        %parallel_loop3A_471 = arith.constant 0 : i32
        %parallel_loop3A_472 = tpu.memref_slice %arg7[%parallel_loop3A_306, %parallel_loop3A_470, %parallel_loop3A_471] : memref<2x128x128xf32, #tpu.memory_space<vmem>> -> memref<1x128x128xf32, #tpu.memory_space<vmem>>
        %parallel_loop3A_473 = tpu.memref_squeeze %parallel_loop3A_472 : memref<1x128x128xf32, #tpu.memory_space<vmem>> -> memref<128x128xf32, #tpu.memory_space<vmem>>
        tpu.vector_store_idx %parallel_loop3A_473[%add3A_33, %parallel_loop3A_392], %parallel_loop3A_469 : memref<128x128xf32, #tpu.memory_space<vmem>>[vector<16xi32>, vector<16xi32>], vector<16xf32>,
        %parallel_loop3A_474 = arith.constant 0 : i32
        %parallel_loop3A_475 = arith.constant 0 : i32
        %parallel_loop3A_476 = tpu.memref_slice %arg6[%parallel_loop3A_305, %parallel_loop3A_474, %parallel_loop3A_475] : memref<4x64x128xf32, #tpu.memory_space<vmem>> -> memref<1x64x128xf32, #tpu.memory_space<vmem>>
        %parallel_loop3A_477 = tpu.memref_squeeze %parallel_loop3A_476 : memref<1x64x128xf32, #tpu.memory_space<vmem>> -> memref<64x128xf32, #tpu.memory_space<vmem>>
        %parallel_loop3A_478 = arith.index_cast %parallel_loop3A_388 : i32 to index
        %parallel_loop3A_479 = arith.constant 112 : index
        %parallel_loop3A_480 = tpu.vector_load %parallel_loop3A_477[%parallel_loop3A_478, %parallel_loop3A_479] {strides = array<i32>} : memref<64x128xf32, #tpu.memory_space<vmem>>, vector<16xf32>,
        %parallel_loop3A_481 = arith.constant 0 : i32
        %parallel_loop3A_482 = arith.constant 0 : i32
        %parallel_loop3A_483 = tpu.memref_slice %arg7[%parallel_loop3A_306, %parallel_loop3A_481, %parallel_loop3A_482] : memref<2x128x128xf32, #tpu.memory_space<vmem>> -> memref<1x128x128xf32, #tpu.memory_space<vmem>>
        %parallel_loop3A_484 = tpu.memref_squeeze %parallel_loop3A_483 : memref<1x128x128xf32, #tpu.memory_space<vmem>> -> memref<128x128xf32, #tpu.memory_space<vmem>>
        tpu.vector_store_idx %parallel_loop3A_484[%add3A_36, %parallel_loop3A_392], %parallel_loop3A_480 : memref<128x128xf32, #tpu.memory_space<vmem>>[vector<16xi32>, vector<16xi32>], vector<16xf32>,
      } {sc.loop_unroll_factor = 1 : i64, sc.parallel_access}
      %dma_start3A_307 = arith.constant 0 : i32
      %dma_start3A_308 = arith.constant 0 : i32
      %dma_start3A_309 = arith.constant 0 : i32
      %dma_start3A_310 = arith.constant 0 : i32
      %dma_start3A_311 = tpu.memref_slice %arg7[%dma_start3A_307, %dma_start3A_309, %dma_start3A_310] : memref<2x128x128xf32, #tpu.memory_space<vmem>> -> memref<1x128x128xf32, #tpu.memory_space<vmem>>
      %dma_start3A_312 = tpu.memref_squeeze %dma_start3A_311 : memref<1x128x128xf32, #tpu.memory_space<vmem>> -> memref<128x128xf32, #tpu.memory_space<vmem>>
      %dma_start3A_313 = arith.constant 0 : i32
      %dma_start3A_314 = tpu.memref_slice %arg5[%add3A_258, %dma_start3A_313] : memref<96x128xi32, #tpu.memory_space<vmem>> -> memref<1x128xi32, #tpu.memory_space<vmem>>
      %dma_start3A_315 = tpu.memref_squeeze %dma_start3A_314 : memref<1x128xi32, #tpu.memory_space<vmem>> -> memref<128xi32, #tpu.memory_space<vmem>>
      %dma_start3A_316 = arith.constant 0 : i32
      %dma_start3A_317 = arith.constant 0 : i32
      %dma_start3A_318 = tpu.memref_slice %arg4[%dma_start3A_316, %dma_start3A_317] : memref<393216x128xf32, #tpu.memory_space<hbm>> -> memref<393216x128xf32, #tpu.memory_space<hbm>>
      %dma_start3A_319 = tpu.memref_slice %arg9[%dma_start3A_308] : memref<2x!tpu.dma_semaphore, #tpu.memory_space<semaphore_mem>> -> memref<1x!tpu.dma_semaphore, #tpu.memory_space<semaphore_mem>>
      %dma_start3A_320 = tpu.memref_squeeze %dma_start3A_319 : memref<1x!tpu.dma_semaphore, #tpu.memory_space<semaphore_mem>> -> memref<!tpu.dma_semaphore, #tpu.memory_space<semaphore_mem>>
      tpu.enqueue_indirect_dma source(%dma_start3A_312 : memref<128x128xf32, #tpu.memory_space<vmem>>) target(%dma_start3A_318 : memref<393216x128xf32, #tpu.memory_space<hbm>>) offsets(%dma_start3A_315 : memref<128xi32, #tpu.memory_space<vmem>>) semaphore(%dma_start3A_320 : memref<!tpu.dma_semaphore, #tpu.memory_space<semaphore_mem>>)
      %mul3A_321 = arith.constant 4 : i32
      %mul3A_322 = arith.muli %scan3A_116, %mul3A_321 : i32
      %add3A_323 = arith.constant 3 : i32
      %add3A_324 = arith.addi %mul3A_322, %add3A_323 : i32
      %dma_wait3A_325 = arith.constant 0 : i32
      %dma_wait3A_326 = arith.constant 3 : i32
      %dma_wait3A_327 = arith.constant 3 : i32
      %dma_wait3A_328 = arith.constant 0 : i32
      %dma_wait3A_329 = arith.constant 0 : i32
      %dma_wait3A_330 = tpu.memref_slice %arg6[%dma_wait3A_326, %dma_wait3A_328, %dma_wait3A_329] : memref<4x64x128xf32, #tpu.memory_space<vmem>> -> memref<1x64x128xf32, #tpu.memory_space<vmem>>
      %dma_wait3A_331 = tpu.memref_squeeze %dma_wait3A_330 : memref<1x64x128xf32, #tpu.memory_space<vmem>> -> memref<64x128xf32, #tpu.memory_space<vmem>>
      %dma_wait3A_332 = arith.constant 0 : i32
      %dma_wait3A_333 = arith.constant 0 : i32
      %dma_wait3A_334 = tpu.memref_slice %arg2[%dma_wait3A_325, %dma_wait3A_332, %dma_wait3A_333] : memref<32x64x12288xf32, #tpu.memory_space<hbm>> -> memref<1x64x128xf32, #tpu.memory_space<hbm>>
      %dma_wait3A_335 = tpu.memref_squeeze %dma_wait3A_334 : memref<1x64x128xf32, #tpu.memory_space<hbm>> -> memref<64x128xf32, #tpu.memory_space<hbm>>
      %dma_wait3A_336 = tpu.memref_slice %arg8[%dma_wait3A_327] : memref<4x!tpu.dma_semaphore, #tpu.memory_space<semaphore_mem>> -> memref<1x!tpu.dma_semaphore, #tpu.memory_space<semaphore_mem>>
      %dma_wait3A_337 = tpu.memref_squeeze %dma_wait3A_336 : memref<1x!tpu.dma_semaphore, #tpu.memory_space<semaphore_mem>> -> memref<!tpu.dma_semaphore, #tpu.memory_space<semaphore_mem>>
      %dma_wait3A_338 = arith.constant 0 : i32
      %dma_wait3A_339 = arith.constant 0 : i32
      %dma_wait3A_340 = tpu.memref_slice %arg6[%dma_wait3A_326, %dma_wait3A_338, %dma_wait3A_339] : memref<4x64x128xf32, #tpu.memory_space<vmem>> -> memref<1x64x128xf32, #tpu.memory_space<vmem>>
      %dma_wait3A_341 = tpu.memref_squeeze %dma_wait3A_340 : memref<1x64x128xf32, #tpu.memory_space<vmem>> -> memref<64x128xf32, #tpu.memory_space<vmem>>
      %dma_wait3A_342 = arith.constant 0 : i32
      %dma_wait3A_343 = arith.constant 0 : i32
      %dma_wait3A_344 = tpu.memref_slice %arg2[%dma_wait3A_325, %dma_wait3A_342, %dma_wait3A_343] : memref<32x64x12288xf32, #tpu.memory_space<hbm>> -> memref<1x64x128xf32, #tpu.memory_space<hbm>>
      %dma_wait3A_345 = tpu.memref_squeeze %dma_wait3A_344 : memref<1x64x128xf32, #tpu.memory_space<hbm>> -> memref<64x128xf32, #tpu.memory_space<hbm>>
      tpu.wait_dma2 semaphore(%dma_wait3A_337 : memref<!tpu.dma_semaphore, #tpu.memory_space<semaphore_mem>>) src(%dma_wait3A_345 : memref<64x128xf32, #tpu.memory_space<hbm>>) dst(%dma_wait3A_341 : memref<64x128xf32, #tpu.memory_space<vmem>>)
      %lt3A_346 = arith.constant 23 : i32
      %lt3A_347 = arith.cmpi slt, %scan3A_116, %lt3A_346 : i32
      %convert_element_type3A_348 = arith.extui %lt3A_347 : i1 to i32
      %cond3A_349 = arith.constant 0 : i32
      %cond3A_350 = arith.cmpi ne, %convert_element_type3A_348, %cond3A_349 : i32
      scf.if %cond3A_350 {
        %add3A_388 = arith.constant 2 : i32
        %add3A_389 = arith.addi %add3A_324, %add3A_388 : i32
        %mul3A_390 = arith.constant 128 : i32
        %mul3A_391 = arith.muli %add3A_389, %mul3A_390 : i32
        %dma_start3A_392 = arith.constant 1 : i32
        %dma_start3A_393 = arith.constant 1 : i32
        %dma_start3A_394 = arith.constant 0 : i32
        %dma_start3A_395 = arith.constant 0 : i32
        %dma_start3A_396 = tpu.memref_slice %arg6[%dma_start3A_392, %dma_start3A_394, %dma_start3A_395] : memref<4x64x128xf32, #tpu.memory_space<vmem>> -> memref<1x64x128xf32, #tpu.memory_space<vmem>>
        %dma_start3A_397 = tpu.memref_squeeze %dma_start3A_396 : memref<1x64x128xf32, #tpu.memory_space<vmem>> -> memref<64x128xf32, #tpu.memory_space<vmem>>
        %dma_start3A_398 = arith.constant 0 : i32
        %dma_start3A_399 = tpu.memref_slice %arg2[%add3A, %dma_start3A_398, %mul3A_391] : memref<32x64x12288xf32, #tpu.memory_space<hbm>> -> memref<1x64x128xf32, #tpu.memory_space<hbm>>
        %dma_start3A_400 = tpu.memref_squeeze %dma_start3A_399 : memref<1x64x128xf32, #tpu.memory_space<hbm>> -> memref<64x128xf32, #tpu.memory_space<hbm>>
        %dma_start3A_401 = tpu.memref_slice %arg8[%dma_start3A_393] : memref<4x!tpu.dma_semaphore, #tpu.memory_space<semaphore_mem>> -> memref<1x!tpu.dma_semaphore, #tpu.memory_space<semaphore_mem>>
        %dma_start3A_402 = tpu.memref_squeeze %dma_start3A_401 : memref<1x!tpu.dma_semaphore, #tpu.memory_space<semaphore_mem>> -> memref<!tpu.dma_semaphore, #tpu.memory_space<semaphore_mem>>
        %dma_start3A_403 = arith.constant 0 : i32
        %dma_start3A_404 = arith.constant 0 : i32
        %dma_start3A_405 = tpu.memref_slice %arg6[%dma_start3A_392, %dma_start3A_403, %dma_start3A_404] : memref<4x64x128xf32, #tpu.memory_space<vmem>> -> memref<1x64x128xf32, #tpu.memory_space<vmem>>
        %dma_start3A_406 = tpu.memref_squeeze %dma_start3A_405 : memref<1x64x128xf32, #tpu.memory_space<vmem>> -> memref<64x128xf32, #tpu.memory_space<vmem>>
        %dma_start3A_407 = arith.constant 0 : i32
        %dma_start3A_408 = tpu.memref_slice %arg2[%add3A, %dma_start3A_407, %mul3A_391] : memref<32x64x12288xf32, #tpu.memory_space<hbm>> -> memref<1x64x128xf32, #tpu.memory_space<hbm>>
        %dma_start3A_409 = tpu.memref_squeeze %dma_start3A_408 : memref<1x64x128xf32, #tpu.memory_space<hbm>> -> memref<64x128xf32, #tpu.memory_space<hbm>>
        tpu.enqueue_dma source(%dma_start3A_409 : memref<64x128xf32, #tpu.memory_space<hbm>>) target(%dma_start3A_406 : memref<64x128xf32, #tpu.memory_space<vmem>>) target_semaphore(%dma_start3A_402 : memref<!tpu.dma_semaphore, #tpu.memory_space<semaphore_mem>>)
      } else {
      }
      %dma_wait3A_351 = arith.constant 1 : i32
      %dma_wait3A_352 = arith.constant 1 : i32
      %dma_wait3A_353 = arith.constant 0 : i32
      %dma_wait3A_354 = arith.constant 0 : i32
      %dma_wait3A_355 = tpu.memref_slice %arg7[%dma_wait3A_351, %dma_wait3A_353, %dma_wait3A_354] : memref<2x128x128xf32, #tpu.memory_space<vmem>> -> memref<1x128x128xf32, #tpu.memory_space<vmem>>
      %dma_wait3A_356 = tpu.memref_squeeze %dma_wait3A_355 : memref<1x128x128xf32, #tpu.memory_space<vmem>> -> memref<128x128xf32, #tpu.memory_space<vmem>>
      %dma_wait3A_357 = arith.constant 0 : i32
      %dma_wait3A_358 = arith.constant 0 : i32
      %dma_wait3A_359 = tpu.memref_slice %arg4[%dma_wait3A_357, %dma_wait3A_358] : memref<393216x128xf32, #tpu.memory_space<hbm>> -> memref<128x128xf32, #tpu.memory_space<hbm>>
      %dma_wait3A_360 = tpu.memref_slice %arg9[%dma_wait3A_352] : memref<2x!tpu.dma_semaphore, #tpu.memory_space<semaphore_mem>> -> memref<1x!tpu.dma_semaphore, #tpu.memory_space<semaphore_mem>>
      %dma_wait3A_361 = tpu.memref_squeeze %dma_wait3A_360 : memref<1x!tpu.dma_semaphore, #tpu.memory_space<semaphore_mem>> -> memref<!tpu.dma_semaphore, #tpu.memory_space<semaphore_mem>>
      %dma_wait3A_362 = arith.constant 0 : i32
      %dma_wait3A_363 = arith.constant 0 : i32
      %dma_wait3A_364 = tpu.memref_slice %arg4[%dma_wait3A_362, %dma_wait3A_363] : memref<393216x128xf32, #tpu.memory_space<hbm>> -> memref<128x128xf32, #tpu.memory_space<hbm>>
      %dma_wait3A_365 = arith.constant 0 : i32
      %dma_wait3A_366 = arith.constant 0 : i32
      %dma_wait3A_367 = tpu.memref_slice %arg7[%dma_wait3A_351, %dma_wait3A_365, %dma_wait3A_366] : memref<2x128x128xf32, #tpu.memory_space<vmem>> -> memref<1x128x128xf32, #tpu.memory_space<vmem>>
      %dma_wait3A_368 = tpu.memref_squeeze %dma_wait3A_367 : memref<1x128x128xf32, #tpu.memory_space<vmem>> -> memref<128x128xf32, #tpu.memory_space<vmem>>
      tpu.wait_dma2 semaphore(%dma_wait3A_361 : memref<!tpu.dma_semaphore, #tpu.memory_space<semaphore_mem>>) src(%dma_wait3A_368 : memref<128x128xf32, #tpu.memory_space<vmem>>) dst(%dma_wait3A_364 : memref<128x128xf32, #tpu.memory_space<hbm>>)
      %parallel_loop3A_369 = arith.constant 0 : i32
      %parallel_loop3A_370 = arith.constant 64 : i32
      %parallel_loop3A_371 = arith.constant 1 : i32
      %parallel_loop3A_372 = arith.constant 3 : i32
      %parallel_loop3A_373 = arith.constant 1 : i32
      scf.for %parallel_loop3A_388 = %parallel_loop3A_369 to %parallel_loop3A_370 step %parallel_loop3A_371  : i32 {
        %parallel_loop3A_389 = arith.constant 0 : i32
        %parallel_loop3A_390 = vector.broadcast %parallel_loop3A_389 : i32 to vector<16xi32>
        %parallel_loop3A_391 = vector.broadcast %parallel_loop3A_388 : i32 to vector<16xi32>
        %parallel_loop3A_392 = arith.addi %parallel_loop3A_390, %parallel_loop3A_391 : vector<16xi32>
        %parallel_loop3A_393 = arith.constant 0 : i32
        %parallel_loop3A_394 = arith.constant 0 : i32
        %parallel_loop3A_395 = tpu.memref_slice %arg6[%parallel_loop3A_372, %parallel_loop3A_393, %parallel_loop3A_394] : memref<4x64x128xf32, #tpu.memory_space<vmem>> -> memref<1x64x128xf32, #tpu.memory_space<vmem>>
        %parallel_loop3A_396 = tpu.memref_squeeze %parallel_loop3A_395 : memref<1x64x128xf32, #tpu.memory_space<vmem>> -> memref<64x128xf32, #tpu.memory_space<vmem>>
        %parallel_loop3A_397 = tpu.vector_load_idx %parallel_loop3A_396[%add3A_3, %parallel_loop3A_392] : memref<64x128xf32, #tpu.memory_space<vmem>>[vector<16xi32>, vector<16xi32>], vector<16xf32>,
        %parallel_loop3A_398 = arith.constant 0 : i32
        %parallel_loop3A_399 = arith.constant 0 : i32
        %parallel_loop3A_400 = tpu.memref_slice %arg7[%parallel_loop3A_373, %parallel_loop3A_398, %parallel_loop3A_399] : memref<2x128x128xf32, #tpu.memory_space<vmem>> -> memref<1x128x128xf32, #tpu.memory_space<vmem>>
        %parallel_loop3A_401 = tpu.memref_squeeze %parallel_loop3A_400 : memref<1x128x128xf32, #tpu.memory_space<vmem>> -> memref<128x128xf32, #tpu.memory_space<vmem>>
        %parallel_loop3A_402 = arith.index_cast %parallel_loop3A_388 : i32 to index
        %parallel_loop3A_403 = arith.constant 0 : index
        %parallel_loop3A_404 = tpu.vector_load %parallel_loop3A_401[%parallel_loop3A_402, %parallel_loop3A_403] {strides = array<i32>} : memref<128x128xf32, #tpu.memory_space<vmem>>, vector<16xf32>,
        tpu.vector_store %parallel_loop3A_401[%parallel_loop3A_402, %parallel_loop3A_403], %parallel_loop3A_397 {strides = array<i32>} : memref<128x128xf32, #tpu.memory_space<vmem>>, vector<16xf32>,
        %parallel_loop3A_405 = arith.constant 0 : i32
        %parallel_loop3A_406 = arith.constant 0 : i32
        %parallel_loop3A_407 = tpu.memref_slice %arg6[%parallel_loop3A_372, %parallel_loop3A_405, %parallel_loop3A_406] : memref<4x64x128xf32, #tpu.memory_space<vmem>> -> memref<1x64x128xf32, #tpu.memory_space<vmem>>
        %parallel_loop3A_408 = tpu.memref_squeeze %parallel_loop3A_407 : memref<1x64x128xf32, #tpu.memory_space<vmem>> -> memref<64x128xf32, #tpu.memory_space<vmem>>
        %parallel_loop3A_409 = tpu.vector_load_idx %parallel_loop3A_408[%add3A_6, %parallel_loop3A_392] : memref<64x128xf32, #tpu.memory_space<vmem>>[vector<16xi32>, vector<16xi32>], vector<16xf32>,
        %parallel_loop3A_410 = arith.constant 0 : i32
        %parallel_loop3A_411 = arith.constant 0 : i32
        %parallel_loop3A_412 = tpu.memref_slice %arg7[%parallel_loop3A_373, %parallel_loop3A_410, %parallel_loop3A_411] : memref<2x128x128xf32, #tpu.memory_space<vmem>> -> memref<1x128x128xf32, #tpu.memory_space<vmem>>
        %parallel_loop3A_413 = tpu.memref_squeeze %parallel_loop3A_412 : memref<1x128x128xf32, #tpu.memory_space<vmem>> -> memref<128x128xf32, #tpu.memory_space<vmem>>
        %parallel_loop3A_414 = arith.index_cast %parallel_loop3A_388 : i32 to index
        %parallel_loop3A_415 = arith.constant 16 : index
        %parallel_loop3A_416 = tpu.vector_load %parallel_loop3A_413[%parallel_loop3A_414, %parallel_loop3A_415] {strides = array<i32>} : memref<128x128xf32, #tpu.memory_space<vmem>>, vector<16xf32>,
        tpu.vector_store %parallel_loop3A_413[%parallel_loop3A_414, %parallel_loop3A_415], %parallel_loop3A_409 {strides = array<i32>} : memref<128x128xf32, #tpu.memory_space<vmem>>, vector<16xf32>,
        %parallel_loop3A_417 = arith.constant 0 : i32
        %parallel_loop3A_418 = arith.constant 0 : i32
        %parallel_loop3A_419 = tpu.memref_slice %arg6[%parallel_loop3A_372, %parallel_loop3A_417, %parallel_loop3A_418] : memref<4x64x128xf32, #tpu.memory_space<vmem>> -> memref<1x64x128xf32, #tpu.memory_space<vmem>>
        %parallel_loop3A_420 = tpu.memref_squeeze %parallel_loop3A_419 : memref<1x64x128xf32, #tpu.memory_space<vmem>> -> memref<64x128xf32, #tpu.memory_space<vmem>>
        %parallel_loop3A_421 = tpu.vector_load_idx %parallel_loop3A_420[%add3A_9, %parallel_loop3A_392] : memref<64x128xf32, #tpu.memory_space<vmem>>[vector<16xi32>, vector<16xi32>], vector<16xf32>,
        %parallel_loop3A_422 = arith.constant 0 : i32
        %parallel_loop3A_423 = arith.constant 0 : i32
        %parallel_loop3A_424 = tpu.memref_slice %arg7[%parallel_loop3A_373, %parallel_loop3A_422, %parallel_loop3A_423] : memref<2x128x128xf32, #tpu.memory_space<vmem>> -> memref<1x128x128xf32, #tpu.memory_space<vmem>>
        %parallel_loop3A_425 = tpu.memref_squeeze %parallel_loop3A_424 : memref<1x128x128xf32, #tpu.memory_space<vmem>> -> memref<128x128xf32, #tpu.memory_space<vmem>>
        %parallel_loop3A_426 = arith.index_cast %parallel_loop3A_388 : i32 to index
        %parallel_loop3A_427 = arith.constant 32 : index
        %parallel_loop3A_428 = tpu.vector_load %parallel_loop3A_425[%parallel_loop3A_426, %parallel_loop3A_427] {strides = array<i32>} : memref<128x128xf32, #tpu.memory_space<vmem>>, vector<16xf32>,
        tpu.vector_store %parallel_loop3A_425[%parallel_loop3A_426, %parallel_loop3A_427], %parallel_loop3A_421 {strides = array<i32>} : memref<128x128xf32, #tpu.memory_space<vmem>>, vector<16xf32>,
        %parallel_loop3A_429 = arith.constant 0 : i32
        %parallel_loop3A_430 = arith.constant 0 : i32
        %parallel_loop3A_431 = tpu.memref_slice %arg6[%parallel_loop3A_372, %parallel_loop3A_429, %parallel_loop3A_430] : memref<4x64x128xf32, #tpu.memory_space<vmem>> -> memref<1x64x128xf32, #tpu.memory_space<vmem>>
        %parallel_loop3A_432 = tpu.memref_squeeze %parallel_loop3A_431 : memref<1x64x128xf32, #tpu.memory_space<vmem>> -> memref<64x128xf32, #tpu.memory_space<vmem>>
        %parallel_loop3A_433 = tpu.vector_load_idx %parallel_loop3A_432[%add3A_12, %parallel_loop3A_392] : memref<64x128xf32, #tpu.memory_space<vmem>>[vector<16xi32>, vector<16xi32>], vector<16xf32>,
        %parallel_loop3A_434 = arith.constant 0 : i32
        %parallel_loop3A_435 = arith.constant 0 : i32
        %parallel_loop3A_436 = tpu.memref_slice %arg7[%parallel_loop3A_373, %parallel_loop3A_434, %parallel_loop3A_435] : memref<2x128x128xf32, #tpu.memory_space<vmem>> -> memref<1x128x128xf32, #tpu.memory_space<vmem>>
        %parallel_loop3A_437 = tpu.memref_squeeze %parallel_loop3A_436 : memref<1x128x128xf32, #tpu.memory_space<vmem>> -> memref<128x128xf32, #tpu.memory_space<vmem>>
        %parallel_loop3A_438 = arith.index_cast %parallel_loop3A_388 : i32 to index
        %parallel_loop3A_439 = arith.constant 48 : index
        %parallel_loop3A_440 = tpu.vector_load %parallel_loop3A_437[%parallel_loop3A_438, %parallel_loop3A_439] {strides = array<i32>} : memref<128x128xf32, #tpu.memory_space<vmem>>, vector<16xf32>,
        tpu.vector_store %parallel_loop3A_437[%parallel_loop3A_438, %parallel_loop3A_439], %parallel_loop3A_433 {strides = array<i32>} : memref<128x128xf32, #tpu.memory_space<vmem>>, vector<16xf32>,
        %parallel_loop3A_441 = arith.constant 0 : i32
        %parallel_loop3A_442 = arith.constant 0 : i32
        %parallel_loop3A_443 = tpu.memref_slice %arg6[%parallel_loop3A_372, %parallel_loop3A_441, %parallel_loop3A_442] : memref<4x64x128xf32, #tpu.memory_space<vmem>> -> memref<1x64x128xf32, #tpu.memory_space<vmem>>
        %parallel_loop3A_444 = tpu.memref_squeeze %parallel_loop3A_443 : memref<1x64x128xf32, #tpu.memory_space<vmem>> -> memref<64x128xf32, #tpu.memory_space<vmem>>
        %parallel_loop3A_445 = arith.index_cast %parallel_loop3A_388 : i32 to index
        %parallel_loop3A_446 = arith.constant 64 : index
        %parallel_loop3A_447 = tpu.vector_load %parallel_loop3A_444[%parallel_loop3A_445, %parallel_loop3A_446] {strides = array<i32>} : memref<64x128xf32, #tpu.memory_space<vmem>>, vector<16xf32>,
        %parallel_loop3A_448 = arith.constant 0 : i32
        %parallel_loop3A_449 = arith.constant 0 : i32
        %parallel_loop3A_450 = tpu.memref_slice %arg7[%parallel_loop3A_373, %parallel_loop3A_448, %parallel_loop3A_449] : memref<2x128x128xf32, #tpu.memory_space<vmem>> -> memref<1x128x128xf32, #tpu.memory_space<vmem>>
        %parallel_loop3A_451 = tpu.memref_squeeze %parallel_loop3A_450 : memref<1x128x128xf32, #tpu.memory_space<vmem>> -> memref<128x128xf32, #tpu.memory_space<vmem>>
        tpu.vector_store_idx %parallel_loop3A_451[%add3A_27, %parallel_loop3A_392], %parallel_loop3A_447 : memref<128x128xf32, #tpu.memory_space<vmem>>[vector<16xi32>, vector<16xi32>], vector<16xf32>,
        %parallel_loop3A_452 = arith.constant 0 : i32
        %parallel_loop3A_453 = arith.constant 0 : i32
        %parallel_loop3A_454 = tpu.memref_slice %arg6[%parallel_loop3A_372, %parallel_loop3A_452, %parallel_loop3A_453] : memref<4x64x128xf32, #tpu.memory_space<vmem>> -> memref<1x64x128xf32, #tpu.memory_space<vmem>>
        %parallel_loop3A_455 = tpu.memref_squeeze %parallel_loop3A_454 : memref<1x64x128xf32, #tpu.memory_space<vmem>> -> memref<64x128xf32, #tpu.memory_space<vmem>>
        %parallel_loop3A_456 = arith.index_cast %parallel_loop3A_388 : i32 to index
        %parallel_loop3A_457 = arith.constant 80 : index
        %parallel_loop3A_458 = tpu.vector_load %parallel_loop3A_455[%parallel_loop3A_456, %parallel_loop3A_457] {strides = array<i32>} : memref<64x128xf32, #tpu.memory_space<vmem>>, vector<16xf32>,
        %parallel_loop3A_459 = arith.constant 0 : i32
        %parallel_loop3A_460 = arith.constant 0 : i32
        %parallel_loop3A_461 = tpu.memref_slice %arg7[%parallel_loop3A_373, %parallel_loop3A_459, %parallel_loop3A_460] : memref<2x128x128xf32, #tpu.memory_space<vmem>> -> memref<1x128x128xf32, #tpu.memory_space<vmem>>
        %parallel_loop3A_462 = tpu.memref_squeeze %parallel_loop3A_461 : memref<1x128x128xf32, #tpu.memory_space<vmem>> -> memref<128x128xf32, #tpu.memory_space<vmem>>
        tpu.vector_store_idx %parallel_loop3A_462[%add3A_30, %parallel_loop3A_392], %parallel_loop3A_458 : memref<128x128xf32, #tpu.memory_space<vmem>>[vector<16xi32>, vector<16xi32>], vector<16xf32>,
        %parallel_loop3A_463 = arith.constant 0 : i32
        %parallel_loop3A_464 = arith.constant 0 : i32
        %parallel_loop3A_465 = tpu.memref_slice %arg6[%parallel_loop3A_372, %parallel_loop3A_463, %parallel_loop3A_464] : memref<4x64x128xf32, #tpu.memory_space<vmem>> -> memref<1x64x128xf32, #tpu.memory_space<vmem>>
        %parallel_loop3A_466 = tpu.memref_squeeze %parallel_loop3A_465 : memref<1x64x128xf32, #tpu.memory_space<vmem>> -> memref<64x128xf32, #tpu.memory_space<vmem>>
        %parallel_loop3A_467 = arith.index_cast %parallel_loop3A_388 : i32 to index
        %parallel_loop3A_468 = arith.constant 96 : index
        %parallel_loop3A_469 = tpu.vector_load %parallel_loop3A_466[%parallel_loop3A_467, %parallel_loop3A_468] {strides = array<i32>} : memref<64x128xf32, #tpu.memory_space<vmem>>, vector<16xf32>,
        %parallel_loop3A_470 = arith.constant 0 : i32
        %parallel_loop3A_471 = arith.constant 0 : i32
        %parallel_loop3A_472 = tpu.memref_slice %arg7[%parallel_loop3A_373, %parallel_loop3A_470, %parallel_loop3A_471] : memref<2x128x128xf32, #tpu.memory_space<vmem>> -> memref<1x128x128xf32, #tpu.memory_space<vmem>>
        %parallel_loop3A_473 = tpu.memref_squeeze %parallel_loop3A_472 : memref<1x128x128xf32, #tpu.memory_space<vmem>> -> memref<128x128xf32, #tpu.memory_space<vmem>>
        tpu.vector_store_idx %parallel_loop3A_473[%add3A_33, %parallel_loop3A_392], %parallel_loop3A_469 : memref<128x128xf32, #tpu.memory_space<vmem>>[vector<16xi32>, vector<16xi32>], vector<16xf32>,
        %parallel_loop3A_474 = arith.constant 0 : i32
        %parallel_loop3A_475 = arith.constant 0 : i32
        %parallel_loop3A_476 = tpu.memref_slice %arg6[%parallel_loop3A_372, %parallel_loop3A_474, %parallel_loop3A_475] : memref<4x64x128xf32, #tpu.memory_space<vmem>> -> memref<1x64x128xf32, #tpu.memory_space<vmem>>
        %parallel_loop3A_477 = tpu.memref_squeeze %parallel_loop3A_476 : memref<1x64x128xf32, #tpu.memory_space<vmem>> -> memref<64x128xf32, #tpu.memory_space<vmem>>
        %parallel_loop3A_478 = arith.index_cast %parallel_loop3A_388 : i32 to index
        %parallel_loop3A_479 = arith.constant 112 : index
        %parallel_loop3A_480 = tpu.vector_load %parallel_loop3A_477[%parallel_loop3A_478, %parallel_loop3A_479] {strides = array<i32>} : memref<64x128xf32, #tpu.memory_space<vmem>>, vector<16xf32>,
        %parallel_loop3A_481 = arith.constant 0 : i32
        %parallel_loop3A_482 = arith.constant 0 : i32
        %parallel_loop3A_483 = tpu.memref_slice %arg7[%parallel_loop3A_373, %parallel_loop3A_481, %parallel_loop3A_482] : memref<2x128x128xf32, #tpu.memory_space<vmem>> -> memref<1x128x128xf32, #tpu.memory_space<vmem>>
        %parallel_loop3A_484 = tpu.memref_squeeze %parallel_loop3A_483 : memref<1x128x128xf32, #tpu.memory_space<vmem>> -> memref<128x128xf32, #tpu.memory_space<vmem>>
        tpu.vector_store_idx %parallel_loop3A_484[%add3A_36, %parallel_loop3A_392], %parallel_loop3A_480 : memref<128x128xf32, #tpu.memory_space<vmem>>[vector<16xi32>, vector<16xi32>], vector<16xf32>,
      } {sc.loop_unroll_factor = 1 : i64, sc.parallel_access}
      %dma_start3A_374 = arith.constant 1 : i32
      %dma_start3A_375 = arith.constant 1 : i32
      %dma_start3A_376 = arith.constant 0 : i32
      %dma_start3A_377 = arith.constant 0 : i32
      %dma_start3A_378 = tpu.memref_slice %arg7[%dma_start3A_374, %dma_start3A_376, %dma_start3A_377] : memref<2x128x128xf32, #tpu.memory_space<vmem>> -> memref<1x128x128xf32, #tpu.memory_space<vmem>>
      %dma_start3A_379 = tpu.memref_squeeze %dma_start3A_378 : memref<1x128x128xf32, #tpu.memory_space<vmem>> -> memref<128x128xf32, #tpu.memory_space<vmem>>
      %dma_start3A_380 = arith.constant 0 : i32
      %dma_start3A_381 = tpu.memref_slice %arg5[%add3A_324, %dma_start3A_380] : memref<96x128xi32, #tpu.memory_space<vmem>> -> memref<1x128xi32, #tpu.memory_space<vmem>>
      %dma_start3A_382 = tpu.memref_squeeze %dma_start3A_381 : memref<1x128xi32, #tpu.memory_space<vmem>> -> memref<128xi32, #tpu.memory_space<vmem>>
      %dma_start3A_383 = arith.constant 0 : i32
      %dma_start3A_384 = arith.constant 0 : i32
      %dma_start3A_385 = tpu.memref_slice %arg4[%dma_start3A_383, %dma_start3A_384] : memref<393216x128xf32, #tpu.memory_space<hbm>> -> memref<393216x128xf32, #tpu.memory_space<hbm>>
      %dma_start3A_386 = tpu.memref_slice %arg9[%dma_start3A_375] : memref<2x!tpu.dma_semaphore, #tpu.memory_space<semaphore_mem>> -> memref<1x!tpu.dma_semaphore, #tpu.memory_space<semaphore_mem>>
      %dma_start3A_387 = tpu.memref_squeeze %dma_start3A_386 : memref<1x!tpu.dma_semaphore, #tpu.memory_space<semaphore_mem>> -> memref<!tpu.dma_semaphore, #tpu.memory_space<semaphore_mem>>
      tpu.enqueue_indirect_dma source(%dma_start3A_379 : memref<128x128xf32, #tpu.memory_space<vmem>>) target(%dma_start3A_385 : memref<393216x128xf32, #tpu.memory_space<hbm>>) offsets(%dma_start3A_382 : memref<128xi32, #tpu.memory_space<vmem>>) semaphore(%dma_start3A_387 : memref<!tpu.dma_semaphore, #tpu.memory_space<semaphore_mem>>)
    }
    %scan3A_80 = arith.constant 24 : i32
    %dma_wait3A = arith.constant 0 : i32
    %dma_wait3A_81 = arith.constant 0 : i32
    %dma_wait3A_82 = arith.constant 0 : i32
    %dma_wait3A_83 = arith.constant 0 : i32
    %dma_wait3A_84 = tpu.memref_slice %arg7[%dma_wait3A, %dma_wait3A_82, %dma_wait3A_83] : memref<2x128x128xf32, #tpu.memory_space<vmem>> -> memref<1x128x128xf32, #tpu.memory_space<vmem>>
    %dma_wait3A_85 = tpu.memref_squeeze %dma_wait3A_84 : memref<1x128x128xf32, #tpu.memory_space<vmem>> -> memref<128x128xf32, #tpu.memory_space<vmem>>
    %dma_wait3A_86 = arith.constant 0 : i32
    %dma_wait3A_87 = arith.constant 0 : i32
    %dma_wait3A_88 = tpu.memref_slice %arg4[%dma_wait3A_86, %dma_wait3A_87] : memref<393216x128xf32, #tpu.memory_space<hbm>> -> memref<128x128xf32, #tpu.memory_space<hbm>>
    %dma_wait3A_89 = tpu.memref_slice %arg9[%dma_wait3A_81] : memref<2x!tpu.dma_semaphore, #tpu.memory_space<semaphore_mem>> -> memref<1x!tpu.dma_semaphore, #tpu.memory_space<semaphore_mem>>
    %dma_wait3A_90 = tpu.memref_squeeze %dma_wait3A_89 : memref<1x!tpu.dma_semaphore, #tpu.memory_space<semaphore_mem>> -> memref<!tpu.dma_semaphore, #tpu.memory_space<semaphore_mem>>
    %dma_wait3A_91 = arith.constant 0 : i32
    %dma_wait3A_92 = arith.constant 0 : i32
    %dma_wait3A_93 = tpu.memref_slice %arg4[%dma_wait3A_91, %dma_wait3A_92] : memref<393216x128xf32, #tpu.memory_space<hbm>> -> memref<128x128xf32, #tpu.memory_space<hbm>>
    %dma_wait3A_94 = arith.constant 0 : i32
    %dma_wait3A_95 = arith.constant 0 : i32
    %dma_wait3A_96 = tpu.memref_slice %arg7[%dma_wait3A, %dma_wait3A_94, %dma_wait3A_95] : memref<2x128x128xf32, #tpu.memory_space<vmem>> -> memref<1x128x128xf32, #tpu.memory_space<vmem>>
    %dma_wait3A_97 = tpu.memref_squeeze %dma_wait3A_96 : memref<1x128x128xf32, #tpu.memory_space<vmem>> -> memref<128x128xf32, #tpu.memory_space<vmem>>
    tpu.wait_dma2 semaphore(%dma_wait3A_90 : memref<!tpu.dma_semaphore, #tpu.memory_space<semaphore_mem>>) src(%dma_wait3A_97 : memref<128x128xf32, #tpu.memory_space<vmem>>) dst(%dma_wait3A_93 : memref<128x128xf32, #tpu.memory_space<hbm>>)
    %dma_wait3A_98 = arith.constant 1 : i32
    %dma_wait3A_99 = arith.constant 1 : i32
    %dma_wait3A_100 = arith.constant 0 : i32
    %dma_wait3A_101 = arith.constant 0 : i32
    %dma_wait3A_102 = tpu.memref_slice %arg7[%dma_wait3A_98, %dma_wait3A_100, %dma_wait3A_101] : memref<2x128x128xf32, #tpu.memory_space<vmem>> -> memref<1x128x128xf32, #tpu.memory_space<vmem>>
    %dma_wait3A_103 = tpu.memref_squeeze %dma_wait3A_102 : memref<1x128x128xf32, #tpu.memory_space<vmem>> -> memref<128x128xf32, #tpu.memory_space<vmem>>
    %dma_wait3A_104 = arith.constant 0 : i32
    %dma_wait3A_105 = arith.constant 0 : i32
    %dma_wait3A_106 = tpu.memref_slice %arg4[%dma_wait3A_104, %dma_wait3A_105] : memref<393216x128xf32, #tpu.memory_space<hbm>> -> memref<128x128xf32, #tpu.memory_space<hbm>>
    %dma_wait3A_107 = tpu.memref_slice %arg9[%dma_wait3A_99] : memref<2x!tpu.dma_semaphore, #tpu.memory_space<semaphore_mem>> -> memref<1x!tpu.dma_semaphore, #tpu.memory_space<semaphore_mem>>
    %dma_wait3A_108 = tpu.memref_squeeze %dma_wait3A_107 : memref<1x!tpu.dma_semaphore, #tpu.memory_space<semaphore_mem>> -> memref<!tpu.dma_semaphore, #tpu.memory_space<semaphore_mem>>
    %dma_wait3A_109 = arith.constant 0 : i32
    %dma_wait3A_110 = arith.constant 0 : i32
    %dma_wait3A_111 = tpu.memref_slice %arg4[%dma_wait3A_109, %dma_wait3A_110] : memref<393216x128xf32, #tpu.memory_space<hbm>> -> memref<128x128xf32, #tpu.memory_space<hbm>>
    %dma_wait3A_112 = arith.constant 0 : i32
    %dma_wait3A_113 = arith.constant 0 : i32
    %dma_wait3A_114 = tpu.memref_slice %arg7[%dma_wait3A_98, %dma_wait3A_112, %dma_wait3A_113] : memref<2x128x128xf32, #tpu.memory_space<vmem>> -> memref<1x128x128xf32, #tpu.memory_space<vmem>>
    %dma_wait3A_115 = tpu.memref_squeeze %dma_wait3A_114 : memref<1x128x128xf32, #tpu.memory_space<vmem>> -> memref<128x128xf32, #tpu.memory_space<vmem>>
    tpu.wait_dma2 semaphore(%dma_wait3A_108 : memref<!tpu.dma_semaphore, #tpu.memory_space<semaphore_mem>>) src(%dma_wait3A_115 : memref<128x128xf32, #tpu.memory_space<vmem>>) dst(%dma_wait3A_111 : memref<128x128xf32, #tpu.memory_space<hbm>>)
    return
  }
}

</mosaic_0001>

<sc_bundles>
// kernel: kernel.3.cloned.1.call-start
scs
__scs_entry_jumppad:
0x0: {  	(pc) =	sbr.rel $0x88, $3  }
0x1: {  	(tag) =	ssettag $0x0;
	lr =	simm.s32 $0x1  }
0x2: {  	[smem:$0x3FA0] =	sst lr;
	_ =	strace $0xD0000000  }
0x3: {  	_ = 	snop  }
0x4: {  	_ = 	snop  }
0x5: {  	_ = 	snop  }
0x6: {  	_ = 	snop  }
0x7: {  	_ = 	snop  }
__scs_overlays_trampoline_lowered:
0x8: {  	[smem:$0x3FAF] =	sst s0  }
0x9: {  	[smem:$0x3FB0] =	sst s1  }
0xa: {  	[smem:$0x3FB1] =	sst s2  }
0xb: {  	[smem:$0x3FB2] =	sst s3  }
0xc: {  	[smem:$0x3FB3] =	sst s4  }
0xd: {  	[smem:$0x3FB4] =	sst s5  }
0xe: {  	[smem:$0x3FB5] =	sst s6  }
0xf: {  	[smem:$0x3FB6] =	sst s7  }
0x10: {  	[smem:$0x3FB7] =	sst s8  }
0x11: {  	[smem:$0x3FB8] =	sst s9;
	s0 =	simm.s32 @!p0 $0x0  }
0x12: {  	s1 =	sld [smem:$0x3F9E];
	s0 =	simm.s32 @p0 $0x1  }
0x13: {  	[smem:$0x3FB9] =	sst s0;
	s0 =	simm.s32 @!p1 $0x0  }
0x14: {  	s2 =	sld [smem:$0x3F9D];
	s0 =	simm.s32 @p1 $0x1  }
0x15: {  	[smem:$0x3FBA] =	sst s0;
	s0 =	simm.s32 @!p2 $0x0  }
0x16: {  	s3 =	sld [smem:$0x3FDB];
	s0 =	simm.s32 @p2 $0x1  }
0x17: {  	s4 =	simm.s32 $0x1BF5;
	[smem:$0x3FBC] =	sst s0  }
0x18: {  	s0 =	sld [smem:$0x3F9F];
	_ =	swait.ge [sflag:s4], $0x0  }
0x19: {  	s7 =	sld [smem:$0x3FA0]  }
0x1a: {  	s8 =	sadd.s32 $0xFFFFE003, lr  }
0x1b: {  	s9 =	sadd.s32 $0xFFFFFEF7, lr;
	s5 =	simm.s32 $0xFFFFFFFF;
	p2 =	slt.u32 s8, $0xFFFFF086  }
0x1c: {  	p1 =	slt.u32 s9, $0xF7A;
	s5 =	simm.s32 @!p2 $0x0  }
0x1d: {  	s5 =	simm.s32 @p1 $0x1;
	p0 =	seq.s32 s7, s2  }
0x1e: {  	s7 =	smul.u32 @!p0 $0xF7A, s2;
	p2 =	seq.s32 @!p0 s5, $0x0  }
0x1f: {  	s9 =	smul.u32 $0xF7A, s1;
	s8 =	simm.s32 @!p0 $0x1BF5;
	p2 =	por !p2, p0  }
0x20: {  	[sflag:s8] =	ssyncset.s32 @!p0 $0xFFFFF086;
	s6 =	sadd.s32 @!p0 s3, s7;
	s7 =	simm.s32 @!p0 $0x108  }
0x21: {  	s3 =	sadd.s32 s3, s9;
	s6 =	sadd.s32 @!p0 $0x88, s6;
	s7 =	simm.s32 @p2 $0x1082  }
0x22: {  	[simem:s7], [sflag:s8] =	dma.local @!p0 [hbm:s6], $0xF7A  }
0x23: {  	s9 =	sor.u32 $0xD0000000, s2;
	s6 =	simm.s32 $0x108;
	_ =	swait.ge @!p0 [sflag:s8], $0x0  }
0x24: {  	s3 =	sadd.s32 $0x88, s3;
	s6 =	simm.s32 @!p1 $0x1082;
	[sflag:s4] =	ssyncset.s32 $0xFFFFF086  }
0x25: {  	[simem:s6], [sflag:s4] =	dma.local [hbm:s3], $0xF7A  }
0x26: {  	[smem:$0x3FA0] =	sst s1;
	(tag) =	ssettag s2;
	_ =	strace s9  }
0x27: {  	s1 =	sld [smem:$0x3FB0]  }
0x28: {  	s2 =	sld [smem:$0x3FB1]  }
0x29: {  	s4 =	sld [smem:$0x3FB3]  }
0x2a: {  	p0 =	seq.s32 s5, $0x0;
	s5 =	sld [smem:$0x3FB4]  }
0x2b: {  	s6 =	sld [smem:$0x3FB5]  }
0x2c: {  	s7 =	sld [smem:$0x3FB6]  }
0x2d: {  	s3 =	simm.s32 $0x108;
	s8 =	sld [smem:$0x3FB7]  }
0x2e: {  	s3 =	simm.s32 @!p0 $0x1082;
	s9 =	sld [smem:$0x3FB8]  }
0x2f: {  	lr =	sadd.s32 s0, s3;
	s0 =	sld [smem:$0x3FAF]  }
0x30: {  	s3 =	sld [smem:$0x3FB2]  }
0x31: {  	[smem:$0x3FBB] =	sst s10  }
0x32: {  	s10 =	sld [smem:$0x3FB9];
	_ =	sdelay $0x3  }
0x33: {  	p0 =	seq.s32 s10, $0x1;
	s10 =	sld [smem:$0x3FBB];
	_ =	sdelay $0x3  }
0x34: {  	[smem:$0x3FBB] =	sst s10  }
0x35: {  	s10 =	sld [smem:$0x3FBA];
	_ =	sdelay $0x3  }
0x36: {  	p1 =	seq.s32 s10, $0x1;
	s10 =	sld [smem:$0x3FBB];
	_ =	sdelay $0x3  }
0x37: {  	[smem:$0x3FBB] =	sst s10  }
0x38: {  	s10 =	sld [smem:$0x3FBC]  }
0x39: {  	_ = 	snop;
	(pc) =	sbr.ind lr, $3  }
0x3a: {  	_ = 	snop  }
0x3b: {  	_ = 	snop  }
0x3c: {  	p2 =	seq.s32 s10, $0x1;
	s10 =	sld [smem:$0x3FBB]  }
0x3d: {  	_ =	shalt  }
0x3e: {  	_ =	shalt  }
0x3f: {  	_ =	shalt  }
0x40: {  	_ =	shalt  }
0x41: {  	_ =	shalt  }
0x42: {  	_ =	shalt  }
0x43: {  	_ =	shalt  }
0x44: {  	_ =	shalt  }
0x45: {  	_ =	shalt  }
0x46: {  	_ =	shalt  }
0x47: {  	_ =	shalt  }
0x48: {  	_ =	shalt  }
0x49: {  	_ =	shalt  }
0x4a: {  	_ =	shalt  }
0x4b: {  	_ =	shalt  }
0x4c: {  	_ =	shalt  }
0x4d: {  	_ =	shalt  }
0x4e: {  	_ =	shalt  }
0x4f: {  	_ =	shalt  }
0x50: {  	_ =	shalt  }
0x51: {  	_ =	shalt  }
0x52: {  	_ =	shalt  }
0x53: {  	_ =	shalt  }
0x54: {  	_ =	shalt  }
0x55: {  	_ =	shalt  }
0x56: {  	_ =	shalt  }
0x57: {  	_ =	shalt  }
0x58: {  	_ =	shalt  }
0x59: {  	_ =	shalt  }
0x5a: {  	_ =	shalt  }
0x5b: {  	_ =	shalt  }
0x5c: {  	_ =	shalt  }
0x5d: {  	_ =	shalt  }
0x5e: {  	_ =	shalt  }
0x5f: {  	_ =	shalt  }
0x60: {  	_ =	shalt  }
0x61: {  	_ =	shalt  }
0x62: {  	_ =	shalt  }
0x63: {  	_ =	shalt  }
0x64: {  	_ =	shalt  }
0x65: {  	_ =	shalt  }
0x66: {  	_ =	shalt  }
0x67: {  	_ =	shalt  }
0x68: {  	_ =	shalt  }
0x69: {  	_ =	shalt  }
0x6a: {  	_ =	shalt  }
0x6b: {  	_ =	shalt  }
0x6c: {  	_ =	shalt  }
0x6d: {  	_ =	shalt  }
0x6e: {  	_ =	shalt  }
0x6f: {  	_ =	shalt  }
0x70: {  	_ =	shalt  }
0x71: {  	_ =	shalt  }
0x72: {  	_ =	shalt  }
0x73: {  	_ =	shalt  }
0x74: {  	_ =	shalt  }
0x75: {  	_ =	shalt  }
0x76: {  	_ =	shalt  }
0x77: {  	_ =	shalt  }
0x78: {  	_ =	shalt  }
0x79: {  	_ =	shalt  }
0x7a: {  	_ =	shalt  }
0x7b: {  	_ =	shalt  }
0x7c: {  	_ =	shalt  }
0x7d: {  	_ =	shalt  }
0x7e: {  	_ =	shalt  }
0x7f: {  	_ =	shalt  }
0x80: {  	_ =	shalt  }
0x81: {  	_ =	shalt  }
0x82: {  	_ =	shalt  }
0x83: {  	_ =	shalt  }
0x84: {  	_ =	shalt  }
0x85: {  	_ =	shalt  }
0x86: {  	_ =	shalt  }
0x87: {  	_ =	shalt  }
.Lfunc_end0:
.L_simem_size_0:
called_computation_lowered:
.L_overlay_start_0:
0x88: {  	s2 =	sld [smem:$0x3FD9]  }
0x89: {  	s3 =	sld [smem:$0x3FFE];
	_ =	sdelay $0x1  }
0x8a: {  	s1 =	srdreg.scid  }
0x8b: {  	s0 =	sand.u32 $0x1, s1  }
0x8c: {  	s17 =	sshll.u32 s0, $0xA;
	s2 =	sadd.s32 s3, s2  }
0x8d: {  	s2 =	sadd.s32 s2, s17  }
0x8e: {  	[smem:$0x3FC7] =	sst s2  }
0x8f: {  	_ = 	snop  }
0x90: {  	s2 =	sld [smem:$0x3FC9]  }
0x91: {  	s18 =	sld [smem:$0x3FD0];
	(tm) =	ssettm $0x1  }
0x92: {  	s4 =	sld [smem:$0x3FFB];
	_ =	sdelay $0x3  }
0x93: {  	_ =	strace s4  }
0x94: {  	s4 =	sld [smem:$0x3FFC];
	_ =	sdelay $0x3  }
0x95: {  	_ =	strace s4  }
0x96: {  	s4 =	sld [smem:$0x3FFD];
	_ =	sdelay $0x3  }
0x97: {  	_ =	strace s4  }
0x98: {  	_ =	strace $0x8FFFFFFF  }
0x99: {  	s19 =	sld [smem:$0x3FDB];
	_ =	sdelay $0x1  }
0x9a: {  	s5 =	simm.s32 $_scs_section_size  }
0x9b: {  	s6 =	simm.s32 $_size__tile_overlayer_lowered;
	s7 =	simm.s32 $_tile_overlayer_lowered  }
0x9c: {  	s22 =	simm.s32 $0x1BFF;
	s21 =	sshll.u32 s7, $0x1;
	s4 =	sadd.s32 s5, s19  }
0x9d: {  	s8 =	simm.s32 $0x0;
	s20 =	sshll.u32 s6, $0x1;
	s6 =	sadd.s32 s21, s4  }
0x9e: {  	[timem:s8], [sflag:s22] =	dma.local [hbm:s6], s20  }
0x9f: {  	_ =	swait.ge [sflag:s22], s20  }
0xa0: {  	s5 =	ssub.s32 $0x0, s20;
	[sflag:s22] =	ssyncset.done $0x0  }
0xa1: {  	[sflag:s22] =	ssyncadd.s32 s5;
	_ =	sdelay $0x1  }
0xa2: {  	s23 =	simm.s32 $0x1B8B  }
0xa3: {  	_ =	swait.ge [sflag:s23], $0x1  }
0xa4: {  	[sflag:s23] =	ssyncset.done $0x0  }
0xa5: {  	s25 =	simm.s32 $0x1B8E;
	s24 =	sld [smem:$0x3FFE];
	[sflag:s23] =	ssyncadd.s32 $0xFFFFFFFF  }
0xa6: {  	s26 =	simm.s32 $execute0_lowered;
	[smem:$0x3FD2] =	sst s25  }
0xa7: {  	s6 =	sshll.u32 s26, $0x1;
	_ =	strace $0x80000046;
	[dreg:$0x1] =	wrdreg $0xFFFFFFFF  }
0xa8: {  	s28 =	simm.s32 $_size_execute0_lowered;
	s4 =	sadd.s32 s4, s6;
	[dreg:$0x0] =	wrdreg $0x0  }
0xa9: {  	s6 =	sshll.u32 s28, $0x1;
	[dreg:$0x2] =	wrdreg s4  }
0xaa: {  	[dreg:$0x3] =	wrdreg s6  }
0xab: {  	[dreg:$0x4] =	wrdreg $0xC0  }
0xac: {  	_ =	task [dreg:s8], $0x5FFFF  }
0xad: {  	[dreg:$0x1] =	wrdreg $0xFFFFFFFF  }
0xae: {  	[dreg:$0x0] =	wrdreg $0x60  }
0xaf: {  	[dreg:$0x2] =	wrdreg s2  }
0xb0: {  	[dreg:$0x3] =	wrdreg s24  }
0xb1: {  	[dreg:$0x4] =	wrdreg s18  }
0xb2: {  	[dreg:$0x5] =	wrdreg $0x9  }
0xb3: {  	_ =	task.clear_ibuf [dreg:s8], $0x6FFFF;
	_ =	strace $0x90000046  }
0xb4: {  	s29 =	simm.s32 $0x9;
	_ =	strace $0x80000048  }
0xb5: {  	_ =	swait.ge [sflag:s29], $0x1  }
0xb6: {  	[sflag:s29] =	ssyncadd.s32 $0xFFFFFFFF  }
0xb7: {  	_ =	strace $0x90000048  }
0xb8: {  	_ =	sfence  }
0xb9: {  	s30 =	sld [smem:$0x0];
	_ =	sdelay $0x2  }
0xba: {  	s31 =	sshll.u32 s1, $0xD;
	s1 =	sshrl.u32 s1, $0x2  }
0xbb: {  	s3 =	sand.u32 $0x4000, s31;
	s1 =	sadd.s32 s1, s30  }
0xbc: {  	s0 =	sor.u32 s3, s0;
	s1 =	sshll.u32 s1, $0x11  }
0xbd: {  	s0 =	sor.u32 s1, s0  }
0xbe: {  	s0 =	sadd.s32 $0x8F2B, s0  }
0xbf: {  	[sflag:s0] =	ssyncadd.remote.s32 $0x1  }
0xc0: {  	_ =	sfence.sel $0xFFFF  }
0xc1: {  	[dreg:$0x0] =	wrdreg $0xFFFFFFFF;
	(pc) =	sbr.abs _section_cstart, $3  }
0xc2: {  	[dreg:$0x1] =	wrdreg $0xFFFFFFFF  }
0xc3: {  	_ =	task.clear_ibuf [dreg:s8], $0x2FFFF;
	_ =	strace $0x9FFFFFFF  }
0xc4: {  	(tm) =	ssettm $0x7FFFFFFF  }
0xc5: {  	_ =	shalt  }
tec
execute0_lowered:
.L_overlay_start_1:
0x0: {  	(tag) =	ssettag $0x1  }
0x1: {  	s13 =	rddreg [dreg:$0x0]  }
0x2: {  	s0 =	srdreg.scid;
	s1 =	rddreg [dreg:$0x1]  }
0x3: {  	s2 =	stileid.u32;
	s3 =	rddreg [dreg:$0x2];
	s5 =	simm.s32 $0x0  }
0x4: {  	s9 =	simm.s32 $0x400;
	s12 =	simm.s32 $0x18000;
	s14 =	simm.s32 $0x3000  }
0x5: {  	s15 =	simm.s32 $0x5000;
	s16 =	simm.s32 $0x1;
	s17 =	simm.s32 $0x7000  }
0x6: {  	s18 =	simm.s32 $0xB000;
	s0 =	sand.u32 $0x1, s0;
	s2 =	sshll.u32 s2, $0x1  }
0x7: {  	s19 =	simm.s32 $0x80;
	s20 =	simm.s32 $0x2;
	s2 =	sor.u32 s0, s2  }
0x8: {  	s21 =	simm.s32 $0x9000;
	s22 =	simm.s32 $0xF000;
	s4 =	smul.u32 $0x600, s2  }
0x9: {  	s23 =	simm.s32 $0x3;
	s0 =	ssub.s32 $0x2, s0;
	s2 =	smul.u32 $0xC0000, s2  }
0xa: {  	s24 =	simm.s32 $0x5;
	[smem:$0x7FF] =	sst s5;
	s26 =	sshrl.u32 s0, $0x1  }
0xb: {  	v0 =	vlaneseq.u32;
	_ =	strace $0x80000047;
	s0 =	ssub.s32 s0, s26;
	s30 =	sor.u32 $0x1000, s2  }
0xc: {  	v0 =	vmul.u32 $0x80, v0;
	s1 =	sadd.s32 s4, s1;
	s31 =	sor.u32 $0x1400, s2;
	[dreg:$0x6] =	wrdreg s30  }
0xd: {  	s28 =	sshrl.u32 s2, $0x3;
	s0 =	smax.u32 s0, $0x1;
	[dreg:$0x7] =	wrdreg s31  }
0xe: {  	v1 =	vor.u32 $0x800, v0;
	s1 =	sadd.s32 $0x400, s1;
	s6 =	sadd.s32 s13, s28;
	[dreg:$0x8] =	wrdreg s0  }
0xf: {  	s25 =	simm.s32 $0x4;
	v2 =	vor.u32 $0x1000, v0;
	v3 =	vor.u32 $0x1800, v0;
	v4 =	vor.u32 $0x2000, v0;
	[dreg:$0x4] =	wrdreg s1;
	s29 =	sadd.s32 $0x80, s6  }
0x10: {  	v5 =	vor.u32 $0x2800, v0;
	v6 =	vor.u32 $0x3000, v0;
	v7 =	vor.u32 $0x3800, v0;
	s26 =	simm.s32 $0x6;
	s1 =	simm.s32 $0x0;
	[dreg:$0x5] =	wrdreg s29  }
.LBB2_1:
0x11: {  	[dreg:$0x9] =	wrdreg s1  }
0x12: {  	s0 =	simm.s32 $0x0;
	s28 =	rddreg [dreg:$0x4];
	s30 =	simm.s32 $0x7  }
0x13: {  	[tilespmem:s0], [sflag:$0x7] =	stream.linear.gather [hbm4b:s28+s0], $0x3000, $0x38;
	[tilespmem:$0x13000] =	vst v63  }
0x14: {  	_ =	swait.ge [sflag:s30], $0x3000  }
0x15: {  	[sflag:s30] =	ssyncset.done $0x0  }
0x16: {  	[sflag:s30] =	ssyncadd.s32 $0xFFFFD000  }
0x17: {  	[tilespmem:s14], [sflag:$0x1] =	stream.strided.gather [hbm4b:s6+s9], $0x2000, s12, s9, $0x38;
	[tilespmem:$0x13000] =	vst v63  }
0x18: {  	s29 =	simm.s32 $0x0;
	s31 =	rddreg [dreg:$0x5]  }
0x19: {  	[tilespmem:s15], [sflag:$0x2] =	stream.strided.gather [hbm4b:s31+s9], $0x2000, s12, s9, $0x38;
	[tilespmem:$0x13000] =	vst v63  }
.LBB2_2:
0x1a: {  	s0 =	simm.s32 $0x0  }
0x1b: {  	v8 =	vmov s0  }
0x1c: {  	v8 =	vand.u32 $0x7F, v8  }
0x1d: {  	_ =	swait.ge [sflag:s16], $0x2000;
	s31 =	sshll.u32 s29, $0x9;
	v11 =	vbroadcast v8, $0x0  }
0x1e: {  	p0 =	seq.s32 s29, $0x0;
	[sflag:s16] =	ssyncset.done $0x0;
	s30 =	sor.u32 $0x100, s31  }
0x1f: {  	s0 =	simm.s32 @!p0 $0x5;
	[sflag:s16] =	ssyncadd.s32 $0xFFFFE000;
	s8 =	sadd.s32 s30, s6;
	v8 =	vor.u32 v0, v11  }
0x20: {  	[tilespmem:s17], [sflag:$0x3] =	stream.strided.gather [hbm4b:s8+s9], $0x2000, s12, s9, $0x38;
	[tilespmem:$0x13000] =	vst v63  }
0x21: {  	_ =	swait.ge @!p0 [sflag:s0], $0x4000  }
0x22: {  	[sflag:s0] =	ssyncset.done @!p0 $0x0  }
0x23: {  	s10 =	simm.s32 $0x1;
	[sflag:s0] =	ssyncadd.s32 @!p0 $0xFFFFC000  }
0x24: {  	v9 =	vld.idx.msk [tilespmem:v8+s14+$0x0], $0xffff;
	v8 =	vmov s10  }
0x25: {  	v10 =	vor.u32 v1, v11;
	v8 =	vand.u32 $0x7F, v8  }
0x26: {  	v8 =	vbroadcast v8, $0x0;
	_ =	sdelay $0x1  }
0x27: {  	s11 =	simm.s32 $0xB020;
	v12 =	vor.u32 v0, v8  }
0x28: {  	[tilespmem:s11+$0xFFFFFFE0] =	vst v9  }
0x29: {  	s1 =	simm.s32 $0x2;
	v10 =	vld.idx.msk [tilespmem:v10+s14+$0x0], $0xffff  }
0x2a: {  	v13 =	vor.u32 v2, v11;
	v9 =	vmov s1  }
0x2b: {  	v9 =	vand.u32 $0x7F, v9  }
0x2c: {  	v9 =	vbroadcast v9, $0x0;
	v12 =	vld.idx.msk [tilespmem:v12+s14+$0x0], $0xffff  }
0x2d: {  	v14 =	vor.u32 v1, v8  }
0x2e: {  	[tilespmem:s11+$0xFFFFFFF0] =	vst v10;
	v10 =	vor.u32 v0, v9  }
0x2f: {  	v13 =	vld.idx.msk [tilespmem:v13+s14+$0x0], $0xffff  }
0x30: {  	s28 =	simm.s32 $0xB0A0;
	v15 =	vor.u32 v3, v11  }
0x31: {  	s2 =	simm.s32 $0x3;
	[tilespmem:s28+$0xFFFFFFE0] =	vst v12  }
0x32: {  	v12 =	vld.idx.msk [tilespmem:v14+s14+$0x0], $0xffff;
	v14 =	vmov s2  }
0x33: {  	v16 =	vld.idx.msk [tilespmem:v10+s14+$0x0], $0xffff;
	v10 =	vand.u32 $0x7F, v14;
	v14 =	vor.u32 v2, v8  }
0x34: {  	[tilespmem:s11+$0x0] =	vst v13  }
0x35: {  	v10 =	vbroadcast v10, $0x0;
	v13 =	vor.u32 v1, v9;
	v15 =	vld.idx.msk [tilespmem:v15+s14+$0x0], $0xffff;
	_ =	sdelay $0x1  }
0x36: {  	v17 =	vor.u32 v0, v10;
	[tilespmem:s28+$0xFFFFFFF0] =	vst v12  }
0x37: {  	s8 =	simm.s32 $0xB120;
	v14 =	vld.idx.msk [tilespmem:v14+s14+$0x0], $0xffff  }
0x38: {  	s5 =	simm.s32 $0x4;
	[tilespmem:s8+$0xFFFFFFE0] =	vst v16;
	v16 =	vor.u32 v3, v8  }
0x39: {  	s4 =	simm.s32 $0x3070;
	v12 =	vmov s5;
	v13 =	vld.idx.msk [tilespmem:v13+s14+$0x0], $0xffff;
	[tilespmem:s11+$0x10] =	vst v15  }
0x3a: {  	v19 =	vor.u32 v4, v11;
	v12 =	vand.u32 $0x7F, v12;
	v15 =	vor.u32 v2, v9;
	v18 =	vld [tilespmem:s4+$0xFFFFFFD0]  }
0x3b: {  	v12 =	vbroadcast v12, $0x0;
	v17 =	vld.idx.msk [tilespmem:v17+s14+$0x0], $0xffff  }
0x3c: {  	v20 =	vor.u32 v1, v10;
	[tilespmem:s28+$0x0] =	vst v14  }
0x3d: {  	v21 =	vor.u32 v0, v12;
	v14 =	vld.idx.msk [tilespmem:v16+s14+$0x0], $0xffff  }
0x3e: {  	[tilespmem:s8+$0xFFFFFFF0] =	vst v13  }
0x3f: {  	s7 =	simm.s32 $0xB1A0;
	v15 =	vld.idx.msk [tilespmem:v15+s14+$0x0], $0xffff;
	[tilespmem:v19+s18+$0x0] =	vst.idx.msk $0xffff, v18  }
0x40: {  	s11 =	simm.s32 $0x5;
	v16 =	vor.u32 v3, v9;
	[tilespmem:s7+$0xFFFFFFE0] =	vst v17;
	v18 =	vor.u32 v5, v11;
	v17 =	vld [tilespmem:s4+$0xFFFFFFE0]  }
0x41: {  	v13 =	vmov s11;
	v19 =	vld.idx.msk [tilespmem:v20+s14+$0x0], $0xffff  }
0x42: {  	s0 =	simm.s32 $0x30F0;
	v13 =	vand.u32 $0x7F, v13;
	v20 =	vld.idx.msk [tilespmem:v21+s14+$0x0], $0xffff;
	v21 =	vor.u32 v2, v10;
	[tilespmem:s28+$0x10] =	vst v14  }
0x43: {  	v23 =	vor.u32 v4, v8;
	v13 =	vbroadcast v13, $0x0;
	v14 =	vor.u32 v1, v12;
	v22 =	vld [tilespmem:s0+$0xFFFFFFD0]  }
0x44: {  	[tilespmem:s8+$0x0] =	vst v15  }
0x45: {  	v24 =	vor.u32 v0, v13;
	v25 =	vld.idx.msk [tilespmem:v16+s14+$0x0], $0xffff;
	[tilespmem:v18+s18+$0x0] =	vst.idx.msk $0xffff, v17  }
0x46: {  	v27 =	vor.u32 v6, v11;
	s10 =	simm.s32 $0xB220;
	[tilespmem:s7+$0xFFFFFFF0] =	vst v19;
	v26 =	vld [tilespmem:s4+$0xFFFFFFF0]  }
0x47: {  	s28 =	simm.s32 $0x6;
	[tilespmem:s10+$0xFFFFFFE0] =	vst v20;
	v19 =	vld.idx.msk [tilespmem:v21+s14+$0x0], $0xffff  }
0x48: {  	v20 =	vor.u32 v3, v10;
	v21 =	vld.idx.msk [tilespmem:v14+s14+$0x0], $0xffff;
	v14 =	vmov s28;
	[tilespmem:v23+s18+$0x0] =	vst.idx.msk $0xffff, v22  }
0x49: {  	v16 =	vor.u32 v5, v8;
	v14 =	vand.u32 $0x7F, v14;
	v23 =	vor.u32 v2, v12;
	v15 =	vld [tilespmem:s0+$0xFFFFFFE0]  }
0x4a: {  	s5 =	simm.s32 $0x3170;
	v22 =	vld.idx.msk [tilespmem:v24+s14+$0x0], $0xffff;
	[tilespmem:s8+$0x10] =	vst v25;
	v14 =	vbroadcast v14, $0x0  }
0x4b: {  	s1 =	simm.s32 $0x7;
	s2 =	sshll.u32 s29, $0xC;
	s11 =	simm.s32 $0xB220;
	v18 =	vor.u32 v4, v9;
	v24 =	vor.u32 v1, v13;
	v17 =	vld [tilespmem:s5+$0xFFFFFFD0];
	[tilespmem:v27+s18+$0x0] =	vst.idx.msk $0xffff, v26  }
.LBB2_3:
0x4c: {  	p1 =	sne.s32 s1, $0x3F;
	v25 =	vor.u32 v0, v14;
	[tilespmem:s7+$0x0] =	vst v19;
	v26 =	vld [tilespmem:s4+$0x0];
	v27 =	vor.u32 v7, v11;
	v11 =	vmovc v8;
	v8 =	vmov v9;
	s4 =	smov.u32 s0;
	s0 =	smov.u32 s5  }
0x4d: {  	v9 =	vmovc v10;
	v10 =	vmov v12;
	v12 =	vmov v13;
	v13 =	vmov v14;
	[tilespmem:s10+$0xFFFFFFF0] =	vst v21;
	v28 =	vld.idx.msk [tilespmem:v20+s14+$0x0], $0xffff  }
0x4e: {  	s10 =	sadd.s32 $0x80, s10;
	v19 =	vld.idx.msk [tilespmem:v23+s14+$0x0], $0xffff;
	[tilespmem:v16+s18+$0x0] =	vst.idx.msk $0xffff, v15  }
0x4f: {  	v30 =	vor.u32 v6, v11;
	[tilespmem:s10+$0xFFFFFFE0] =	vst v22;
	v29 =	vld [tilespmem:s4+$0xFFFFFFF0]  }
.Ltmp0:
0x50: {  	v21 =	vld.idx.msk [tilespmem:v24+s14+$0x0], $0xffff;
	[tilespmem:v18+s18+$0x0] =	vst.idx.msk $0xffff, v17;
	(pc) =	sbr.rel @p1 .LBB2_3-.Ltmp0, $4  }
0x51: {  	v14 =	vmov s1;
	v20 =	vor.u32 v3, v10;
	v22 =	vld.idx.msk [tilespmem:v25+s14+$0x0], $0xffff;
	[tilespmem:v27+s18+$0x0] =	vst.idx.msk $0xffff, v26  }
0x52: {  	v14 =	vand.u32 $0x7F, v14;
	v23 =	vor.u32 v2, v12;
	v16 =	vor.u32 v5, v8;
	v15 =	vld [tilespmem:s5+$0xFFFFFFE0]  }
0x53: {  	v14 =	vbroadcast v14, $0x0;
	s5 =	sadd.s32 $0x80, s5;
	[tilespmem:s7+$0x10] =	vst v28;
	s7 =	smov.u32 s11;
	s11 =	smov.u32 s10  }
0x54: {  	s1 =	sadd.s32 $0x1, s1;
	v24 =	vor.u32 v1, v13;
	v18 =	vor.u32 v4, v9;
	v17 =	vld [tilespmem:s5+$0xFFFFFFD0];
	[tilespmem:v30+s18+$0x0] =	vst.idx.msk $0xffff, v29  }
0x55: {  	v25 =	vor.u32 v0, v14;
	_ =	sdelay $0x4  }
0x56: {  	v25 =	vld.idx.msk [tilespmem:v25+s14+$0x0], $0xffff  }
0x57: {  	v26 =	vor.u32 v1, v14;
	_ =	sdelay $0x1  }
0x58: {  	s1 =	sadd.s32 $0x80, s10  }
0x59: {  	[tilespmem:s1+$0xFFFFFFE0] =	vst v22;
	s8 =	sadd.s32 $0x80, s1  }
0x5a: {  	v22 =	vld.idx.msk [tilespmem:v24+s14+$0x0], $0xffff;
	[tilespmem:s8+$0xFFFFFFE0] =	vst v25  }
0x5b: {  	v24 =	vor.u32 v2, v13;
	v25 =	vld.idx.msk [tilespmem:v26+s14+$0x0], $0xffff  }
0x5c: {  	v26 =	vor.u32 v2, v14;
	_ =	sdelay $0x1  }
0x5d: {  	[tilespmem:s10+$0xFFFFFFF0] =	vst v21  }
0x5e: {  	v21 =	vld.idx.msk [tilespmem:v23+s14+$0x0], $0xffff;
	[tilespmem:s1+$0xFFFFFFF0] =	vst v22  }
0x5f: {  	v22 =	vor.u32 v3, v12;
	v23 =	vld.idx.msk [tilespmem:v24+s14+$0x0], $0xffff;
	[tilespmem:s8+$0xFFFFFFF0] =	vst v25  }
0x60: {  	v24 =	vor.u32 v3, v13;
	v25 =	vld.idx.msk [tilespmem:v26+s14+$0x0], $0xffff  }
0x61: {  	v26 =	vor.u32 v3, v14  }
0x62: {  	[tilespmem:s7+$0x0] =	vst v19  }
0x63: {  	v19 =	vld.idx.msk [tilespmem:v20+s14+$0x0], $0xffff;
	[tilespmem:s11+$0x0] =	vst v21  }
0x64: {  	v20 =	vld.idx.msk [tilespmem:v22+s14+$0x0], $0xffff;
	[tilespmem:s1+$0x0] =	vst v23  }
0x65: {  	v21 =	vld.idx.msk [tilespmem:v24+s14+$0x0], $0xffff;
	[tilespmem:s8+$0x0] =	vst v25  }
0x66: {  	v22 =	vld.idx.msk [tilespmem:v26+s14+$0x0], $0xffff;
	_ =	sdelay $0x1  }
0x67: {  	[tilespmem:s7+$0x10] =	vst v19;
	s7 =	sadd.s32 $0x80, s5  }
0x68: {  	v19 =	vld [tilespmem:s7+$0xFFFFFFD0];
	s10 =	sadd.s32 $0x80, s7;
	v23 =	vor.u32 v4, v10;
	[tilespmem:s11+$0x10] =	vst v20  }
0x69: {  	v24 =	vor.u32 v4, v12;
	v20 =	vld [tilespmem:s10+$0xFFFFFFD0];
	[tilespmem:s1+$0x10] =	vst v21;
	s1 =	sadd.s32 $0x80, s10  }
0x6a: {  	v21 =	vld [tilespmem:s1+$0xFFFFFFD0];
	s11 =	sadd.s32 $0x80, s1;
	v25 =	vor.u32 v4, v13;
	[tilespmem:s8+$0x10] =	vst v22  }
0x6b: {  	[tilespmem:v16+s18+$0x0] =	vst.idx.msk $0xffff, v15;
	v16 =	vor.u32 v4, v14;
	v15 =	vld [tilespmem:s11+$0xFFFFFFD0]  }
0x6c: {  	v11 =	vor.u32 v7, v11;
	[tilespmem:v18+s18+$0x0] =	vst.idx.msk $0xffff, v17;
	v22 =	vld [tilespmem:s4+$0x0]  }
0x6d: {  	v18 =	vor.u32 v5, v9;
	v17 =	vld [tilespmem:s5+$0xFFFFFFE0];
	[tilespmem:v23+s18+$0x0] =	vst.idx.msk $0xffff, v19  }
0x6e: {  	v23 =	vor.u32 v5, v10;
	v19 =	vld [tilespmem:s7+$0xFFFFFFE0];
	[tilespmem:v24+s18+$0x0] =	vst.idx.msk $0xffff, v20  }
0x6f: {  	v24 =	vor.u32 v5, v12;
	v20 =	vld [tilespmem:s10+$0xFFFFFFE0];
	[tilespmem:v25+s18+$0x0] =	vst.idx.msk $0xffff, v21  }
0x70: {  	v25 =	vor.u32 v5, v13;
	v21 =	vld [tilespmem:s1+$0xFFFFFFE0];
	[tilespmem:v16+s18+$0x0] =	vst.idx.msk $0xffff, v15  }
0x71: {  	[tilespmem:v11+s18+$0x0] =	vst.idx.msk $0xffff, v22;
	v15 =	vor.u32 v5, v14;
	v11 =	vld [tilespmem:s11+$0xFFFFFFE0]  }
0x72: {  	[tilespmem:v18+s18+$0x0] =	vst.idx.msk $0xffff, v17;
	v22 =	vor.u32 v6, v8;
	v16 =	vld [tilespmem:s0+$0xFFFFFFF0]  }
0x73: {  	v18 =	vor.u32 v6, v9;
	v17 =	vld [tilespmem:s5+$0xFFFFFFF0];
	[tilespmem:v23+s18+$0x0] =	vst.idx.msk $0xffff, v19  }
0x74: {  	v23 =	vor.u32 v6, v10;
	v19 =	vld [tilespmem:s7+$0xFFFFFFF0];
	[tilespmem:v24+s18+$0x0] =	vst.idx.msk $0xffff, v20  }
0x75: {  	v24 =	vor.u32 v6, v12;
	v20 =	vld [tilespmem:s10+$0xFFFFFFF0];
	[tilespmem:v25+s18+$0x0] =	vst.idx.msk $0xffff, v21  }
0x76: {  	v25 =	vor.u32 v6, v13;
	v21 =	vld [tilespmem:s1+$0xFFFFFFF0];
	[tilespmem:v15+s18+$0x0] =	vst.idx.msk $0xffff, v11  }
0x77: {  	[tilespmem:v22+s18+$0x0] =	vst.idx.msk $0xffff, v16;
	v15 =	vor.u32 v6, v14;
	v11 =	vld [tilespmem:s11+$0xFFFFFFF0]  }
0x78: {  	[tilespmem:v18+s18+$0x0] =	vst.idx.msk $0xffff, v17;
	v8 =	vor.u32 v7, v8;
	v16 =	vld [tilespmem:s0+$0x0]  }
0x79: {  	v9 =	vor.u32 v7, v9;
	v17 =	vld [tilespmem:s5+$0x0];
	[tilespmem:v23+s18+$0x0] =	vst.idx.msk $0xffff, v19  }
0x7a: {  	v10 =	vor.u32 v7, v10;
	v18 =	vld [tilespmem:s7+$0x0];
	[tilespmem:v24+s18+$0x0] =	vst.idx.msk $0xffff, v20  }
0x7b: {  	v12 =	vor.u32 v7, v12;
	v19 =	vld [tilespmem:s10+$0x0];
	[tilespmem:v25+s18+$0x0] =	vst.idx.msk $0xffff, v21  }
0x7c: {  	v13 =	vor.u32 v7, v13;
	v20 =	vld [tilespmem:s1+$0x0];
	[tilespmem:v15+s18+$0x0] =	vst.idx.msk $0xffff, v11  }
0x7d: {  	[tilespmem:v8+s18+$0x0] =	vst.idx.msk $0xffff, v16;
	v11 =	vor.u32 v7, v14;
	v8 =	vld [tilespmem:s11+$0x0]  }
0x7e: {  	[tilespmem:v9+s18+$0x0] =	vst.idx.msk $0xffff, v17  }
0x7f: {  	[tilespmem:v10+s18+$0x0] =	vst.idx.msk $0xffff, v18  }
0x80: {  	[tilespmem:v12+s18+$0x0] =	vst.idx.msk $0xffff, v19  }
0x81: {  	s4 =	simm.s32 $0x0;
	[tilespmem:v13+s18+$0x0] =	vst.idx.msk $0xffff, v20  }
0x82: {  	s0 =	sand.u32 $0x3FFFFE00, s31;
	[tilespmem:v11+s18+$0x0] =	vst.idx.msk $0xffff, v8;
	v8 =	vmov s4  }
0x83: {  	[hbm4b:s3+s19] =	stream.indirect.scatter [tilespmem:s18], [sflag:$0x5], $0x80, s0, s19, $0xb8;
	v8 =	vand.u32 $0x7F, v8;
	[tilespmem:$0x13000] =	vst v63  }
0x84: {  	_ =	swait.ge [sflag:s20], $0x2000;
	v14 =	vbroadcast v8, $0x0  }
0x85: {  	s31 =	sor.u32 $0x180, s31;
	[sflag:s20] =	ssyncset.done $0x0  }
0x86: {  	s1 =	simm.s32 @!p0 $0x6;
	s5 =	sadd.s32 s31, s6;
	[sflag:s20] =	ssyncadd.s32 $0xFFFFE000;
	v8 =	vor.u32 v0, v14  }
0x87: {  	[tilespmem:s21], [sflag:$0x4] =	stream.strided.gather [hbm4b:s5+s9], $0x2000, s12, s9, $0x38;
	[tilespmem:$0x13000] =	vst v63  }
0x88: {  	_ =	swait.ge @!p0 [sflag:s1], $0x4000  }
0x89: {  	s7 =	simm.s32 $0x1;
	[sflag:s1] =	ssyncset.done @!p0 $0x0  }
0x8a: {  	v9 =	vmov s7;
	[sflag:s1] =	ssyncadd.s32 @!p0 $0xFFFFC000  }
0x8b: {  	v10 =	vld.idx.msk [tilespmem:v8+s15+$0x0], $0xffff;
	v8 =	vand.u32 $0x7F, v9  }
0x8c: {  	v9 =	vor.u32 v1, v14;
	v8 =	vbroadcast v8, $0x0;
	_ =	sdelay $0x1  }
0x8d: {  	v11 =	vor.u32 v0, v8  }
0x8e: {  	s11 =	simm.s32 $0x0  }
0x8f: {  	[tilespmem:s11+$0xF000] =	vst v10  }
0x90: {  	s8 =	simm.s32 $0x2;
	v10 =	vld.idx.msk [tilespmem:v9+s15+$0x0], $0xffff  }
0x91: {  	v12 =	vor.u32 v2, v14;
	v9 =	vmov s8  }
0x92: {  	v9 =	vand.u32 $0x7F, v9;
	v11 =	vld.idx.msk [tilespmem:v11+s15+$0x0], $0xffff  }
0x93: {  	v13 =	vor.u32 v1, v8;
	v9 =	vbroadcast v9, $0x0;
	_ =	sdelay $0x1  }
0x94: {  	v15 =	vor.u32 v0, v9;
	[tilespmem:s11+$0xF010] =	vst v10  }
0x95: {  	s4 =	simm.s32 $0x80;
	v12 =	vld.idx.msk [tilespmem:v12+s15+$0x0], $0xffff  }
0x96: {  	[tilespmem:s4+$0xF000] =	vst v11;
	v11 =	vor.u32 v3, v14  }
0x97: {  	v13 =	vld.idx.msk [tilespmem:v13+s15+$0x0], $0xffff  }
0x98: {  	s9 =	simm.s32 $0x3;
	v16 =	vor.u32 v2, v8  }
0x99: {  	v10 =	vmov s9;
	v15 =	vld.idx.msk [tilespmem:v15+s15+$0x0], $0xffff  }
0x9a: {  	v10 =	vand.u32 $0x7F, v10;
	[tilespmem:s11+$0xF020] =	vst v12  }
0x9b: {  	v17 =	vor.u32 v1, v9;
	v10 =	vbroadcast v10, $0x0;
	v11 =	vld.idx.msk [tilespmem:v11+s15+$0x0], $0xffff  }
0x9c: {  	[tilespmem:s4+$0xF010] =	vst v13  }
0x9d: {  	s5 =	simm.s32 $0x100;
	v12 =	vor.u32 v0, v10;
	v16 =	vld.idx.msk [tilespmem:v16+s15+$0x0], $0xffff  }
0x9e: {  	s10 =	simm.s32 $0x4;
	v18 =	vor.u32 v4, v14;
	v13 =	vld [tilespmem:s11+$0x5040];
	[tilespmem:s5+$0xF000] =	vst v15;
	v15 =	vor.u32 v3, v8  }
0x9f: {  	v19 =	vmov s10  }
0xa0: {  	v17 =	vld.idx.msk [tilespmem:v17+s15+$0x0], $0xffff;
	[tilespmem:s11+$0xF030] =	vst v11;
	v11 =	vand.u32 $0x7F, v19  }
0xa1: {  	v20 =	vor.u32 v2, v9;
	v11 =	vbroadcast v11, $0x0  }
0xa2: {  	v12 =	vld.idx.msk [tilespmem:v12+s15+$0x0], $0xffff;
	[tilespmem:s4+$0xF020] =	vst v16  }
0xa3: {  	[tilespmem:v18+s22+$0x0] =	vst.idx.msk $0xffff, v13;
	v15 =	vld.idx.msk [tilespmem:v15+s15+$0x0], $0xffff;
	v19 =	vor.u32 v0, v11  }
0xa4: {  	v13 =	vor.u32 v1, v10;
	v18 =	vor.u32 v5, v14;
	v16 =	vld [tilespmem:s11+$0x5050]  }
0xa5: {  	v21 =	vor.u32 v4, v8;
	[tilespmem:s5+$0xF010] =	vst v17;
	v17 =	vld [tilespmem:s4+$0x5040]  }
0xa6: {  	s7 =	simm.s32 $0x180;
	v20 =	vld.idx.msk [tilespmem:v20+s15+$0x0], $0xffff  }
0xa7: {  	s12 =	simm.s32 $0x5;
	v22 =	vor.u32 v3, v9;
	[tilespmem:s7+$0xF000] =	vst v12  }
0xa8: {  	v12 =	vmov s12;
	[tilespmem:s4+$0xF030] =	vst v15;
	v15 =	vld.idx.msk [tilespmem:v19+s15+$0x0], $0xffff  }
0xa9: {  	v12 =	vand.u32 $0x7F, v12;
	v13 =	vld.idx.msk [tilespmem:v13+s15+$0x0], $0xffff;
	[tilespmem:v18+s22+$0x0] =	vst.idx.msk $0xffff, v16;
	v19 =	vor.u32 v1, v11  }
0xaa: {  	v23 =	vor.u32 v6, v14;
	v12 =	vbroadcast v12, $0x0;
	v18 =	vor.u32 v2, v10;
	v16 =	vld [tilespmem:s11+$0x5060];
	[tilespmem:v21+s22+$0x0] =	vst.idx.msk $0xffff, v17  }
0xab: {  	v24 =	vor.u32 v5, v8;
	[tilespmem:s5+$0xF020] =	vst v20;
	v21 =	vld [tilespmem:s4+$0x5050]  }
0xac: {  	s10 =	simm.s32 $0x200;
	v25 =	vld.idx.msk [tilespmem:v22+s15+$0x0], $0xffff;
	v22 =	vor.u32 v0, v12  }
0xad: {  	v17 =	vld [tilespmem:s5+$0x5040];
	[tilespmem:s10+$0xF000] =	vst v15  }
0xae: {  	[tilespmem:s7+$0xF010] =	vst v13;
	v20 =	vld.idx.msk [tilespmem:v19+s15+$0x0], $0xffff;
	v19 =	vor.u32 v4, v9  }
0xaf: {  	v18 =	vld.idx.msk [tilespmem:v18+s15+$0x0], $0xffff;
	[tilespmem:v23+s22+$0x0] =	vst.idx.msk $0xffff, v16  }
0xb0: {  	v15 =	vor.u32 v7, v14;
	v13 =	vld [tilespmem:s11+$0x5070];
	[tilespmem:v24+s22+$0x0] =	vst.idx.msk $0xffff, v21;
	v21 =	vor.u32 v3, v10  }
0xb1: {  	s28 =	simm.s32 $0x6;
	v23 =	vld.idx.msk [tilespmem:v22+s15+$0x0], $0xffff  }
0xb2: {  	s1 =	simm.s32 $0xC00;
	s8 =	simm.s32 $0xE00;
	v16 =	vor.u32 v6, v8;
	s11 =	simm.s32 $0xA00;
	v24 =	vmov s28;
	v22 =	vor.u32 v2, v11;
	[tilespmem:s5+$0xF030] =	vst v25;
	v14 =	vld [tilespmem:s4+$0x5060]  }
.LBB2_5:
0xb3: {  	p0 =	sne.s32 s8, $0x7E00;
	v24 =	vand.u32 $0x7F, v24;
	[tilespmem:v19+s22+$0x0] =	vst.idx.msk $0xffff, v17;
	s9 =	smov.u32 s8;
	s8 =	sadd.s32 $0x200, s8  }
0xb4: {  	v25 =	vor.u32 v1, v12;
	v27 =	vor.u32 v5, v9;
	v24 =	vbroadcast v24, $0x0;
	[tilespmem:s7+$0xF020] =	vst v18;
	v26 =	vld [tilespmem:s5+$0x5050]  }
0xb5: {  	v28 =	vld.idx.msk [tilespmem:v21+s15+$0x0], $0xffff;
	[tilespmem:v15+s22+$0x0] =	vst.idx.msk $0xffff, v13  }
0xb6: {  	v29 =	vor.u32 v0, v24;
	[tilespmem:s10+$0xF010] =	vst v20;
	v17 =	vld [tilespmem:s7+$0x5040]  }
.Ltmp1:
0xb7: {  	s12 =	sshra.s32 s11, $0x2;
	v19 =	vor.u32 v4, v10;
	s11 =	smov.u32 s1;
	v18 =	vld.idx.msk [tilespmem:v22+s15+$0x0], $0xffff;
	[tilespmem:v16+s22+$0x0] =	vst.idx.msk $0xffff, v14;
	(pc) =	sbr.rel @p0 .LBB2_5-.Ltmp1, $4  }
0xb8: {  	s1 =	smov.u32 s9;
	v15 =	vor.u32 v7, v8;
	v8 =	vmovc v9;
	v9 =	vmovc v10;
	v10 =	vmov v11;
	v11 =	vmov v12;
	[tilespmem:s12+$0xF000] =	vst v23;
	v13 =	vld [tilespmem:s4+$0x5070];
	s4 =	smov.u32 s5;
	s5 =	smov.u32 s7  }
0xb9: {  	v21 =	vor.u32 v3, v10;
	v12 =	vmov v24;
	s7 =	smov.u32 s10;
	s10 =	smov.u32 s12;
	v20 =	vld.idx.msk [tilespmem:v25+s15+$0x0], $0xffff;
	[tilespmem:v27+s22+$0x0] =	vst.idx.msk $0xffff, v26  }
0xba: {  	s28 =	sadd.s32 $0x1, s28;
	v16 =	vor.u32 v6, v8;
	v14 =	vld [tilespmem:s4+$0x5060]  }
0xbb: {  	v24 =	vmov s28;
	v22 =	vor.u32 v2, v11;
	v23 =	vld.idx.msk [tilespmem:v29+s15+$0x0], $0xffff;
	[tilespmem:s5+$0xF030] =	vst v28  }
0xbc: {  	v24 =	vand.u32 $0x7F, v24  }
0xbd: {  	v24 =	vbroadcast v24, $0x0;
	_ =	sdelay $0x1  }
0xbe: {  	v25 =	vor.u32 v0, v24;
	_ =	sdelay $0x2  }
0xbf: {  	v26 =	vor.u32 v1, v12;
	_ =	sdelay $0x1  }
0xc0: {  	v25 =	vld.idx.msk [tilespmem:v25+s15+$0x0], $0xffff  }
0xc1: {  	s28 =	sshra.s32 s11, $0x2;
	v27 =	vor.u32 v1, v24  }
0xc2: {  	[tilespmem:s28+$0xF000] =	vst v23  }
0xc3: {  	v23 =	vld.idx.msk [tilespmem:v26+s15+$0x0], $0xffff  }
0xc4: {  	s1 =	sshra.s32 s1, $0x2;
	v26 =	vor.u32 v2, v12  }
0xc5: {  	[tilespmem:s1+$0xF000] =	vst v25  }
0xc6: {  	v25 =	vld.idx.msk [tilespmem:v27+s15+$0x0], $0xffff  }
0xc7: {  	[tilespmem:s10+$0xF010] =	vst v20;
	v20 =	vor.u32 v2, v24  }
0xc8: {  	v22 =	vld.idx.msk [tilespmem:v22+s15+$0x0], $0xffff;
	[tilespmem:s28+$0xF010] =	vst v23  }
0xc9: {  	[tilespmem:s7+$0xF020] =	vst v18;
	v18 =	vld.idx.msk [tilespmem:v26+s15+$0x0], $0xffff;
	v27 =	vor.u32 v3, v11  }
0xca: {  	v21 =	vld.idx.msk [tilespmem:v21+s15+$0x0], $0xffff;
	v23 =	vor.u32 v3, v12  }
0xcb: {  	[tilespmem:s1+$0xF010] =	vst v25  }
0xcc: {  	[tilespmem:v19+s22+$0x0] =	vst.idx.msk $0xffff, v17;
	v20 =	vld.idx.msk [tilespmem:v20+s15+$0x0], $0xffff  }
0xcd: {  	[tilespmem:s10+$0xF020] =	vst v22;
	v22 =	vor.u32 v3, v24;
	v26 =	vor.u32 v4, v10;
	v25 =	vld [tilespmem:s7+$0x5040]  }
0xce: {  	[tilespmem:s28+$0xF020] =	vst v18;
	v17 =	vld.idx.msk [tilespmem:v27+s15+$0x0], $0xffff  }
0xcf: {  	[tilespmem:s7+$0xF030] =	vst v21;
	v21 =	vld.idx.msk [tilespmem:v23+s15+$0x0], $0xffff  }
0xd0: {  	v19 =	vld [tilespmem:s10+$0x5040];
	v18 =	vor.u32 v4, v11  }
0xd1: {  	v23 =	vld [tilespmem:s28+$0x5040];
	[tilespmem:s1+$0xF020] =	vst v20;
	v20 =	vor.u32 v4, v12  }
0xd2: {  	[tilespmem:v26+s22+$0x0] =	vst.idx.msk $0xffff, v25;
	v22 =	vld.idx.msk [tilespmem:v22+s15+$0x0], $0xffff  }
0xd3: {  	[tilespmem:s10+$0xF030] =	vst v17;
	v17 =	vld [tilespmem:s1+$0x5040];
	v25 =	vor.u32 v4, v24  }
0xd4: {  	[tilespmem:s28+$0xF030] =	vst v21  }
0xd5: {  	[tilespmem:v18+s22+$0x0] =	vst.idx.msk $0xffff, v19;
	v18 =	vld [tilespmem:s5+$0x5050];
	v19 =	vor.u32 v5, v9  }
0xd6: {  	v21 =	vld [tilespmem:s7+$0x5050];
	[tilespmem:v20+s22+$0x0] =	vst.idx.msk $0xffff, v23;
	v20 =	vor.u32 v5, v10  }
0xd7: {  	v23 =	vld [tilespmem:s10+$0x5050];
	[tilespmem:s1+$0xF030] =	vst v22;
	v22 =	vor.u32 v5, v11  }
0xd8: {  	[tilespmem:v25+s22+$0x0] =	vst.idx.msk $0xffff, v17;
	v17 =	vld [tilespmem:s28+$0x5050];
	v25 =	vor.u32 v5, v12  }
0xd9: {  	[tilespmem:v15+s22+$0x0] =	vst.idx.msk $0xffff, v13;
	v15 =	vor.u32 v5, v24;
	v13 =	vld [tilespmem:s1+$0x5050]  }
0xda: {  	[tilespmem:v19+s22+$0x0] =	vst.idx.msk $0xffff, v18  }
0xdb: {  	v19 =	vor.u32 v6, v9;
	v18 =	vld [tilespmem:s5+$0x5060];
	[tilespmem:v20+s22+$0x0] =	vst.idx.msk $0xffff, v21  }
0xdc: {  	v21 =	vor.u32 v6, v10;
	v20 =	vld [tilespmem:s7+$0x5060];
	[tilespmem:v22+s22+$0x0] =	vst.idx.msk $0xffff, v23  }
0xdd: {  	v23 =	vor.u32 v6, v11;
	v22 =	vld [tilespmem:s10+$0x5060];
	[tilespmem:v25+s22+$0x0] =	vst.idx.msk $0xffff, v17  }
0xde: {  	v25 =	vor.u32 v6, v12;
	v17 =	vld [tilespmem:s28+$0x5060];
	[tilespmem:v15+s22+$0x0] =	vst.idx.msk $0xffff, v13  }
0xdf: {  	[tilespmem:v16+s22+$0x0] =	vst.idx.msk $0xffff, v14;
	v14 =	vor.u32 v6, v24;
	v13 =	vld [tilespmem:s1+$0x5060]  }
0xe0: {  	v8 =	vor.u32 v7, v8;
	[tilespmem:v19+s22+$0x0] =	vst.idx.msk $0xffff, v18;
	v15 =	vld [tilespmem:s4+$0x5070]  }
0xe1: {  	v9 =	vor.u32 v7, v9;
	v16 =	vld [tilespmem:s5+$0x5070];
	[tilespmem:v21+s22+$0x0] =	vst.idx.msk $0xffff, v20  }
0xe2: {  	v10 =	vor.u32 v7, v10;
	v18 =	vld [tilespmem:s7+$0x5070];
	[tilespmem:v23+s22+$0x0] =	vst.idx.msk $0xffff, v22  }
0xe3: {  	v11 =	vor.u32 v7, v11;
	v19 =	vld [tilespmem:s10+$0x5070];
	[tilespmem:v25+s22+$0x0] =	vst.idx.msk $0xffff, v17  }
0xe4: {  	v12 =	vor.u32 v7, v12;
	v17 =	vld [tilespmem:s28+$0x5070];
	[tilespmem:v14+s22+$0x0] =	vst.idx.msk $0xffff, v13  }
0xe5: {  	[tilespmem:v8+s22+$0x0] =	vst.idx.msk $0xffff, v15;
	v13 =	vor.u32 v7, v24;
	v8 =	vld [tilespmem:s1+$0x5070]  }
0xe6: {  	[tilespmem:v9+s22+$0x0] =	vst.idx.msk $0xffff, v16  }
0xe7: {  	[tilespmem:v10+s22+$0x0] =	vst.idx.msk $0xffff, v18  }
0xe8: {  	[tilespmem:v11+s22+$0x0] =	vst.idx.msk $0xffff, v19  }
0xe9: {  	[tilespmem:v12+s22+$0x0] =	vst.idx.msk $0xffff, v17  }
0xea: {  	s0 =	sadd.s32 $0x80, s0;
	s5 =	simm.s32 $0x0;
	[tilespmem:v13+s22+$0x0] =	vst.idx.msk $0xffff, v8  }
0xeb: {  	[hbm4b:s3+s19] =	stream.indirect.scatter [tilespmem:s22], [sflag:$0x6], $0x80, s0, s19, $0xb8;
	[tilespmem:$0x13000] =	vst v63  }
0xec: {  	v8 =	vmov s5;
	_ =	swait.ge [sflag:s23], $0x2000  }
0xed: {  	p0 =	seq.s32 s29, $0x17;
	v8 =	vand.u32 $0x7F, v8;
	s0 =	rddreg [dreg:$0x6]  }
0xee: {  	s4 =	simm.s32 @!p0 $0x18000;
	v14 =	vbroadcast v8, $0x0;
	s0 =	sadd.s32 @!p0 s0, s2  }
0xef: {  	s1 =	simm.s32 @!p0 $0x400;
	[sflag:s23] =	ssyncset.done $0x0;
	s0 =	sshrl.u32 @!p0 s0, $0x3  }
0xf0: {  	s5 =	simm.s32 @!p0 $0x3000;
	[sflag:s23] =	ssyncadd.s32 $0xFFFFE000;
	v8 =	vor.u32 v0, v14;
	s0 =	sadd.s32 @!p0 s13, s0  }
0xf1: {  	[tilespmem:s5], [sflag:$0x1] =	stream.strided.gather @!p0 [hbm4b:s0+s1], $0x2000, s4, s1, $0x38;
	[tilespmem:$0x13000] =	vst v63  }
0xf2: {  	_ =	swait.ge [sflag:s24], $0x4000  }
0xf3: {  	s7 =	simm.s32 $0x1;
	[sflag:s24] =	ssyncset.done $0x0  }
0xf4: {  	v9 =	vmov s7;
	[sflag:s24] =	ssyncadd.s32 $0xFFFFC000  }
0xf5: {  	v10 =	vld.idx.msk [tilespmem:v8+s17+$0x0], $0xffff;
	v8 =	vand.u32 $0x7F, v9  }
0xf6: {  	v9 =	vor.u32 v1, v14;
	v8 =	vbroadcast v8, $0x0;
	_ =	sdelay $0x1  }
0xf7: {  	v11 =	vor.u32 v0, v8  }
0xf8: {  	s8 =	simm.s32 $0x0  }
0xf9: {  	[tilespmem:s8+$0xB000] =	vst v10  }
0xfa: {  	s9 =	simm.s32 $0x2;
	v10 =	vld.idx.msk [tilespmem:v9+s17+$0x0], $0xffff  }
0xfb: {  	v12 =	vor.u32 v2, v14;
	v9 =	vmov s9  }
0xfc: {  	v9 =	vand.u32 $0x7F, v9;
	v11 =	vld.idx.msk [tilespmem:v11+s17+$0x0], $0xffff  }
0xfd: {  	v13 =	vor.u32 v1, v8;
	v9 =	vbroadcast v9, $0x0;
	_ =	sdelay $0x1  }
0xfe: {  	v15 =	vor.u32 v0, v9;
	[tilespmem:s8+$0xB010] =	vst v10  }
0xff: {  	s0 =	simm.s32 $0x80;
	v12 =	vld.idx.msk [tilespmem:v12+s17+$0x0], $0xffff  }
0x100: {  	[tilespmem:s0+$0xB000] =	vst v11;
	v11 =	vor.u32 v3, v14  }
0x101: {  	v13 =	vld.idx.msk [tilespmem:v13+s17+$0x0], $0xffff  }
0x102: {  	s11 =	simm.s32 $0x3;
	v16 =	vor.u32 v2, v8  }
0x103: {  	v10 =	vmov s11;
	v15 =	vld.idx.msk [tilespmem:v15+s17+$0x0], $0xffff  }
0x104: {  	v10 =	vand.u32 $0x7F, v10;
	[tilespmem:s8+$0xB020] =	vst v12  }
0x105: {  	v17 =	vor.u32 v1, v9;
	v10 =	vbroadcast v10, $0x0;
	v11 =	vld.idx.msk [tilespmem:v11+s17+$0x0], $0xffff  }
0x106: {  	[tilespmem:s0+$0xB010] =	vst v13  }
0x107: {  	s4 =	simm.s32 $0x100;
	v12 =	vor.u32 v0, v10;
	v16 =	vld.idx.msk [tilespmem:v16+s17+$0x0], $0xffff  }
0x108: {  	s12 =	simm.s32 $0x4;
	v18 =	vor.u32 v4, v14;
	v13 =	vld [tilespmem:s8+$0x7040];
	[tilespmem:s4+$0xB000] =	vst v15;
	v15 =	vor.u32 v3, v8  }
0x109: {  	v19 =	vmov s12  }
0x10a: {  	v17 =	vld.idx.msk [tilespmem:v17+s17+$0x0], $0xffff;
	[tilespmem:s8+$0xB030] =	vst v11;
	v11 =	vand.u32 $0x7F, v19  }
0x10b: {  	v20 =	vor.u32 v2, v9;
	v11 =	vbroadcast v11, $0x0  }
0x10c: {  	v12 =	vld.idx.msk [tilespmem:v12+s17+$0x0], $0xffff;
	[tilespmem:s0+$0xB020] =	vst v16  }
0x10d: {  	[tilespmem:v18+s18+$0x0] =	vst.idx.msk $0xffff, v13;
	v15 =	vld.idx.msk [tilespmem:v15+s17+$0x0], $0xffff;
	v19 =	vor.u32 v0, v11  }
0x10e: {  	v13 =	vor.u32 v1, v10;
	v18 =	vor.u32 v5, v14;
	v16 =	vld [tilespmem:s8+$0x7050]  }
0x10f: {  	v21 =	vor.u32 v4, v8;
	[tilespmem:s4+$0xB010] =	vst v17;
	v17 =	vld [tilespmem:s0+$0x7040]  }
0x110: {  	s5 =	simm.s32 $0x180;
	v20 =	vld.idx.msk [tilespmem:v20+s17+$0x0], $0xffff  }
0x111: {  	s28 =	simm.s32 $0x5;
	v22 =	vor.u32 v3, v9;
	[tilespmem:s5+$0xB000] =	vst v12  }
0x112: {  	v12 =	vmov s28;
	[tilespmem:s0+$0xB030] =	vst v15;
	v15 =	vld.idx.msk [tilespmem:v19+s17+$0x0], $0xffff  }
0x113: {  	v12 =	vand.u32 $0x7F, v12;
	v13 =	vld.idx.msk [tilespmem:v13+s17+$0x0], $0xffff;
	[tilespmem:v18+s18+$0x0] =	vst.idx.msk $0xffff, v16;
	v19 =	vor.u32 v1, v11  }
0x114: {  	v23 =	vor.u32 v6, v14;
	v12 =	vbroadcast v12, $0x0;
	v18 =	vor.u32 v2, v10;
	v16 =	vld [tilespmem:s8+$0x7060];
	[tilespmem:v21+s18+$0x0] =	vst.idx.msk $0xffff, v17  }
0x115: {  	v24 =	vor.u32 v5, v8;
	[tilespmem:s4+$0xB020] =	vst v20;
	v21 =	vld [tilespmem:s0+$0x7050]  }
0x116: {  	s7 =	simm.s32 $0x200;
	v25 =	vld.idx.msk [tilespmem:v22+s17+$0x0], $0xffff;
	v22 =	vor.u32 v0, v12  }
0x117: {  	v17 =	vld [tilespmem:s4+$0x7040];
	[tilespmem:s7+$0xB000] =	vst v15  }
0x118: {  	[tilespmem:s5+$0xB010] =	vst v13;
	v20 =	vld.idx.msk [tilespmem:v19+s17+$0x0], $0xffff;
	v19 =	vor.u32 v4, v9  }
0x119: {  	v18 =	vld.idx.msk [tilespmem:v18+s17+$0x0], $0xffff;
	[tilespmem:v23+s18+$0x0] =	vst.idx.msk $0xffff, v16  }
0x11a: {  	v15 =	vor.u32 v7, v14;
	v13 =	vld [tilespmem:s8+$0x7070];
	[tilespmem:v24+s18+$0x0] =	vst.idx.msk $0xffff, v21;
	v21 =	vor.u32 v3, v10  }
0x11b: {  	s11 =	simm.s32 $0x6;
	v23 =	vld.idx.msk [tilespmem:v22+s17+$0x0], $0xffff  }
0x11c: {  	s10 =	simm.s32 $0xA00;
	s1 =	simm.s32 $0xC00;
	v16 =	vor.u32 v6, v8;
	s8 =	simm.s32 $0xE00;
	v24 =	vmov s11;
	v22 =	vor.u32 v2, v11;
	[tilespmem:s4+$0xB030] =	vst v25;
	v14 =	vld [tilespmem:s0+$0x7060]  }
.LBB2_7:
0x11d: {  	p1 =	sne.s32 s8, $0x7E00;
	v24 =	vand.u32 $0x7F, v24;
	[tilespmem:v19+s18+$0x0] =	vst.idx.msk $0xffff, v17;
	s9 =	smov.u32 s8;
	s8 =	sadd.s32 $0x200, s8  }
0x11e: {  	v25 =	vor.u32 v1, v12;
	v27 =	vor.u32 v5, v9;
	v24 =	vbroadcast v24, $0x0;
	[tilespmem:s5+$0xB020] =	vst v18;
	v26 =	vld [tilespmem:s4+$0x7050]  }
0x11f: {  	v28 =	vld.idx.msk [tilespmem:v21+s17+$0x0], $0xffff;
	[tilespmem:v15+s18+$0x0] =	vst.idx.msk $0xffff, v13  }
0x120: {  	v29 =	vor.u32 v0, v24;
	[tilespmem:s7+$0xB010] =	vst v20;
	v17 =	vld [tilespmem:s5+$0x7040]  }
.Ltmp2:
0x121: {  	s12 =	sshra.s32 s10, $0x2;
	v19 =	vor.u32 v4, v10;
	s10 =	smov.u32 s1;
	v18 =	vld.idx.msk [tilespmem:v22+s17+$0x0], $0xffff;
	[tilespmem:v16+s18+$0x0] =	vst.idx.msk $0xffff, v14;
	(pc) =	sbr.rel @p1 .LBB2_7-.Ltmp2, $4  }
0x122: {  	s1 =	smov.u32 s9;
	v15 =	vor.u32 v7, v8;
	v8 =	vmovc v9;
	v9 =	vmovc v10;
	v10 =	vmov v11;
	v11 =	vmov v12;
	[tilespmem:s12+$0xB000] =	vst v23;
	v13 =	vld [tilespmem:s0+$0x7070];
	s0 =	smov.u32 s4;
	s4 =	smov.u32 s5  }
0x123: {  	v21 =	vor.u32 v3, v10;
	v12 =	vmov v24;
	s5 =	smov.u32 s7;
	s7 =	smov.u32 s12;
	v20 =	vld.idx.msk [tilespmem:v25+s17+$0x0], $0xffff;
	[tilespmem:v27+s18+$0x0] =	vst.idx.msk $0xffff, v26  }
0x124: {  	s11 =	sadd.s32 $0x1, s11;
	v16 =	vor.u32 v6, v8;
	v14 =	vld [tilespmem:s0+$0x7060]  }
0x125: {  	v24 =	vmov s11;
	v22 =	vor.u32 v2, v11;
	v23 =	vld.idx.msk [tilespmem:v29+s17+$0x0], $0xffff;
	[tilespmem:s4+$0xB030] =	vst v28  }
0x126: {  	v24 =	vand.u32 $0x7F, v24  }
0x127: {  	v24 =	vbroadcast v24, $0x0;
	_ =	sdelay $0x1  }
0x128: {  	v25 =	vor.u32 v0, v24;
	_ =	sdelay $0x2  }
0x129: {  	v26 =	vor.u32 v1, v12;
	_ =	sdelay $0x1  }
0x12a: {  	v25 =	vld.idx.msk [tilespmem:v25+s17+$0x0], $0xffff  }
0x12b: {  	s11 =	sshra.s32 s10, $0x2;
	v27 =	vor.u32 v1, v24  }
0x12c: {  	[tilespmem:s11+$0xB000] =	vst v23  }
0x12d: {  	v23 =	vld.idx.msk [tilespmem:v26+s17+$0x0], $0xffff  }
0x12e: {  	s1 =	sshra.s32 s1, $0x2;
	v26 =	vor.u32 v2, v12  }
0x12f: {  	[tilespmem:s1+$0xB000] =	vst v25  }
0x130: {  	v25 =	vld.idx.msk [tilespmem:v27+s17+$0x0], $0xffff  }
0x131: {  	[tilespmem:s7+$0xB010] =	vst v20;
	v20 =	vor.u32 v2, v24  }
0x132: {  	v22 =	vld.idx.msk [tilespmem:v22+s17+$0x0], $0xffff;
	[tilespmem:s11+$0xB010] =	vst v23  }
0x133: {  	[tilespmem:s5+$0xB020] =	vst v18;
	v18 =	vld.idx.msk [tilespmem:v26+s17+$0x0], $0xffff;
	v27 =	vor.u32 v3, v11  }
0x134: {  	v21 =	vld.idx.msk [tilespmem:v21+s17+$0x0], $0xffff;
	v23 =	vor.u32 v3, v12  }
0x135: {  	[tilespmem:s1+$0xB010] =	vst v25  }
0x136: {  	[tilespmem:v19+s18+$0x0] =	vst.idx.msk $0xffff, v17;
	v20 =	vld.idx.msk [tilespmem:v20+s17+$0x0], $0xffff  }
0x137: {  	[tilespmem:s7+$0xB020] =	vst v22;
	v22 =	vor.u32 v3, v24;
	v26 =	vor.u32 v4, v10;
	v25 =	vld [tilespmem:s5+$0x7040]  }
0x138: {  	[tilespmem:s11+$0xB020] =	vst v18;
	v17 =	vld.idx.msk [tilespmem:v27+s17+$0x0], $0xffff  }
0x139: {  	[tilespmem:s5+$0xB030] =	vst v21;
	v21 =	vld.idx.msk [tilespmem:v23+s17+$0x0], $0xffff  }
0x13a: {  	v19 =	vld [tilespmem:s7+$0x7040];
	v18 =	vor.u32 v4, v11  }
0x13b: {  	v23 =	vld [tilespmem:s11+$0x7040];
	[tilespmem:s1+$0xB020] =	vst v20;
	v20 =	vor.u32 v4, v12  }
0x13c: {  	[tilespmem:v26+s18+$0x0] =	vst.idx.msk $0xffff, v25;
	v22 =	vld.idx.msk [tilespmem:v22+s17+$0x0], $0xffff  }
0x13d: {  	[tilespmem:s7+$0xB030] =	vst v17;
	v17 =	vld [tilespmem:s1+$0x7040];
	v25 =	vor.u32 v4, v24  }
0x13e: {  	[tilespmem:s11+$0xB030] =	vst v21  }
0x13f: {  	[tilespmem:v18+s18+$0x0] =	vst.idx.msk $0xffff, v19;
	v18 =	vld [tilespmem:s4+$0x7050];
	v19 =	vor.u32 v5, v9  }
0x140: {  	v21 =	vld [tilespmem:s5+$0x7050];
	[tilespmem:v20+s18+$0x0] =	vst.idx.msk $0xffff, v23;
	v20 =	vor.u32 v5, v10  }
0x141: {  	v23 =	vld [tilespmem:s7+$0x7050];
	[tilespmem:s1+$0xB030] =	vst v22;
	v22 =	vor.u32 v5, v11  }
0x142: {  	[tilespmem:v25+s18+$0x0] =	vst.idx.msk $0xffff, v17;
	v17 =	vld [tilespmem:s11+$0x7050];
	v25 =	vor.u32 v5, v12  }
0x143: {  	[tilespmem:v15+s18+$0x0] =	vst.idx.msk $0xffff, v13;
	v15 =	vor.u32 v5, v24;
	v13 =	vld [tilespmem:s1+$0x7050]  }
0x144: {  	[tilespmem:v19+s18+$0x0] =	vst.idx.msk $0xffff, v18  }
0x145: {  	v19 =	vor.u32 v6, v9;
	v18 =	vld [tilespmem:s4+$0x7060];
	[tilespmem:v20+s18+$0x0] =	vst.idx.msk $0xffff, v21  }
0x146: {  	v21 =	vor.u32 v6, v10;
	v20 =	vld [tilespmem:s5+$0x7060];
	[tilespmem:v22+s18+$0x0] =	vst.idx.msk $0xffff, v23  }
0x147: {  	v23 =	vor.u32 v6, v11;
	v22 =	vld [tilespmem:s7+$0x7060];
	[tilespmem:v25+s18+$0x0] =	vst.idx.msk $0xffff, v17  }
0x148: {  	v25 =	vor.u32 v6, v12;
	v17 =	vld [tilespmem:s11+$0x7060];
	[tilespmem:v15+s18+$0x0] =	vst.idx.msk $0xffff, v13  }
0x149: {  	[tilespmem:v16+s18+$0x0] =	vst.idx.msk $0xffff, v14;
	v14 =	vor.u32 v6, v24;
	v13 =	vld [tilespmem:s1+$0x7060]  }
0x14a: {  	v8 =	vor.u32 v7, v8;
	[tilespmem:v19+s18+$0x0] =	vst.idx.msk $0xffff, v18;
	v15 =	vld [tilespmem:s0+$0x7070]  }
0x14b: {  	v9 =	vor.u32 v7, v9;
	v16 =	vld [tilespmem:s4+$0x7070];
	[tilespmem:v21+s18+$0x0] =	vst.idx.msk $0xffff, v20  }
0x14c: {  	v10 =	vor.u32 v7, v10;
	v18 =	vld [tilespmem:s5+$0x7070];
	[tilespmem:v23+s18+$0x0] =	vst.idx.msk $0xffff, v22  }
0x14d: {  	v11 =	vor.u32 v7, v11;
	v19 =	vld [tilespmem:s7+$0x7070];
	[tilespmem:v25+s18+$0x0] =	vst.idx.msk $0xffff, v17  }
0x14e: {  	v12 =	vor.u32 v7, v12;
	v17 =	vld [tilespmem:s11+$0x7070];
	[tilespmem:v14+s18+$0x0] =	vst.idx.msk $0xffff, v13  }
0x14f: {  	[tilespmem:v8+s18+$0x0] =	vst.idx.msk $0xffff, v15;
	v13 =	vor.u32 v7, v24;
	v8 =	vld [tilespmem:s1+$0x7070]  }
0x150: {  	[tilespmem:v9+s18+$0x0] =	vst.idx.msk $0xffff, v16  }
0x151: {  	[tilespmem:v10+s18+$0x0] =	vst.idx.msk $0xffff, v18  }
0x152: {  	[tilespmem:v11+s18+$0x0] =	vst.idx.msk $0xffff, v19  }
0x153: {  	[tilespmem:v12+s18+$0x0] =	vst.idx.msk $0xffff, v17  }
0x154: {  	s8 =	simm.s32 $0x0;
	[tilespmem:v13+s18+$0x0] =	vst.idx.msk $0xffff, v8  }
0x155: {  	[hbm4b:s3+s19] =	stream.indirect.scatter [tilespmem:s18], [sflag:$0x5], $0x80, s30, s19, $0xb8;
	[tilespmem:$0x13000] =	vst v63  }
0x156: {  	v8 =	vmov s8;
	_ =	swait.ge [sflag:s25], $0x2000  }
0x157: {  	v8 =	vand.u32 $0x7F, v8;
	s0 =	rddreg [dreg:$0x7]  }
0x158: {  	s4 =	simm.s32 @!p0 $0x5000;
	v14 =	vbroadcast v8, $0x0;
	s0 =	sadd.s32 @!p0 s0, s2  }
0x159: {  	s1 =	simm.s32 @!p0 $0x400;
	[sflag:s25] =	ssyncset.done $0x0;
	s0 =	sshrl.u32 @!p0 s0, $0x3  }
0x15a: {  	[sflag:s25] =	ssyncadd.s32 $0xFFFFE000;
	s2 =	simm.s32 @!p0 $0x18000;
	v8 =	vor.u32 v0, v14;
	s0 =	sadd.s32 @!p0 s13, s0  }
0x15b: {  	[tilespmem:s4], [sflag:$0x2] =	stream.strided.gather @!p0 [hbm4b:s0+s1], $0x2000, s2, s1, $0x38;
	[tilespmem:$0x13000] =	vst v63  }
0x15c: {  	_ =	swait.ge [sflag:s26], $0x4000  }
0x15d: {  	s9 =	simm.s32 $0x1;
	[sflag:s26] =	ssyncset.done $0x0  }
0x15e: {  	v9 =	vmov s9;
	[sflag:s26] =	ssyncadd.s32 $0xFFFFC000  }
0x15f: {  	v10 =	vld.idx.msk [tilespmem:v8+s21+$0x0], $0xffff;
	v8 =	vand.u32 $0x7F, v9  }
0x160: {  	v9 =	vor.u32 v1, v14;
	v8 =	vbroadcast v8, $0x0;
	_ =	sdelay $0x1  }
0x161: {  	v11 =	vor.u32 v0, v8  }
0x162: {  	s10 =	simm.s32 $0x0  }
0x163: {  	[tilespmem:s10+$0xF000] =	vst v10  }
0x164: {  	s11 =	simm.s32 $0x2;
	v10 =	vld.idx.msk [tilespmem:v9+s21+$0x0], $0xffff  }
0x165: {  	v12 =	vor.u32 v2, v14;
	v9 =	vmov s11  }
0x166: {  	v9 =	vand.u32 $0x7F, v9;
	v11 =	vld.idx.msk [tilespmem:v11+s21+$0x0], $0xffff  }
0x167: {  	v13 =	vor.u32 v1, v8;
	v9 =	vbroadcast v9, $0x0;
	_ =	sdelay $0x1  }
0x168: {  	v15 =	vor.u32 v0, v9;
	[tilespmem:s10+$0xF010] =	vst v10  }
0x169: {  	s0 =	simm.s32 $0x80;
	v12 =	vld.idx.msk [tilespmem:v12+s21+$0x0], $0xffff  }
0x16a: {  	[tilespmem:s0+$0xF000] =	vst v11;
	v11 =	vor.u32 v3, v14  }
0x16b: {  	v13 =	vld.idx.msk [tilespmem:v13+s21+$0x0], $0xffff  }
0x16c: {  	s12 =	simm.s32 $0x3;
	v16 =	vor.u32 v2, v8  }
0x16d: {  	v10 =	vmov s12;
	v15 =	vld.idx.msk [tilespmem:v15+s21+$0x0], $0xffff  }
0x16e: {  	v10 =	vand.u32 $0x7F, v10;
	[tilespmem:s10+$0xF020] =	vst v12  }
0x16f: {  	v17 =	vor.u32 v1, v9;
	v10 =	vbroadcast v10, $0x0;
	v11 =	vld.idx.msk [tilespmem:v11+s21+$0x0], $0xffff  }
0x170: {  	[tilespmem:s0+$0xF010] =	vst v13  }
0x171: {  	s2 =	simm.s32 $0x100;
	v12 =	vor.u32 v0, v10;
	v16 =	vld.idx.msk [tilespmem:v16+s21+$0x0], $0xffff  }
0x172: {  	s28 =	simm.s32 $0x4;
	v18 =	vor.u32 v4, v14;
	v13 =	vld [tilespmem:s10+$0x9040];
	[tilespmem:s2+$0xF000] =	vst v15;
	v15 =	vor.u32 v3, v8  }
0x173: {  	v19 =	vmov s28  }
0x174: {  	v17 =	vld.idx.msk [tilespmem:v17+s21+$0x0], $0xffff;
	[tilespmem:s10+$0xF030] =	vst v11;
	v11 =	vand.u32 $0x7F, v19  }
0x175: {  	v20 =	vor.u32 v2, v9;
	v11 =	vbroadcast v11, $0x0  }
0x176: {  	v12 =	vld.idx.msk [tilespmem:v12+s21+$0x0], $0xffff;
	[tilespmem:s0+$0xF020] =	vst v16  }
0x177: {  	[tilespmem:v18+s22+$0x0] =	vst.idx.msk $0xffff, v13;
	v15 =	vld.idx.msk [tilespmem:v15+s21+$0x0], $0xffff;
	v19 =	vor.u32 v0, v11  }
0x178: {  	v13 =	vor.u32 v1, v10;
	v18 =	vor.u32 v5, v14;
	v16 =	vld [tilespmem:s10+$0x9050]  }
0x179: {  	v21 =	vor.u32 v4, v8;
	[tilespmem:s2+$0xF010] =	vst v17;
	v17 =	vld [tilespmem:s0+$0x9040]  }
0x17a: {  	s4 =	simm.s32 $0x180;
	v20 =	vld.idx.msk [tilespmem:v20+s21+$0x0], $0xffff  }
0x17b: {  	s30 =	simm.s32 $0x5;
	v22 =	vor.u32 v3, v9;
	[tilespmem:s4+$0xF000] =	vst v12  }
0x17c: {  	v12 =	vmov s30;
	[tilespmem:s0+$0xF030] =	vst v15;
	v15 =	vld.idx.msk [tilespmem:v19+s21+$0x0], $0xffff  }
0x17d: {  	v12 =	vand.u32 $0x7F, v12;
	v13 =	vld.idx.msk [tilespmem:v13+s21+$0x0], $0xffff;
	[tilespmem:v18+s22+$0x0] =	vst.idx.msk $0xffff, v16;
	v19 =	vor.u32 v1, v11  }
0x17e: {  	v23 =	vor.u32 v6, v14;
	v12 =	vbroadcast v12, $0x0;
	v18 =	vor.u32 v2, v10;
	v16 =	vld [tilespmem:s10+$0x9060];
	[tilespmem:v21+s22+$0x0] =	vst.idx.msk $0xffff, v17  }
0x17f: {  	v24 =	vor.u32 v5, v8;
	[tilespmem:s2+$0xF020] =	vst v20;
	v21 =	vld [tilespmem:s0+$0x9050]  }
0x180: {  	s5 =	simm.s32 $0x200;
	v25 =	vld.idx.msk [tilespmem:v22+s21+$0x0], $0xffff;
	v22 =	vor.u32 v0, v12  }
0x181: {  	v17 =	vld [tilespmem:s2+$0x9040];
	[tilespmem:s5+$0xF000] =	vst v15  }
0x182: {  	[tilespmem:s4+$0xF010] =	vst v13;
	v20 =	vld.idx.msk [tilespmem:v19+s21+$0x0], $0xffff;
	v19 =	vor.u32 v4, v9  }
0x183: {  	v18 =	vld.idx.msk [tilespmem:v18+s21+$0x0], $0xffff;
	[tilespmem:v23+s22+$0x0] =	vst.idx.msk $0xffff, v16  }
0x184: {  	v15 =	vor.u32 v7, v14;
	v13 =	vld [tilespmem:s10+$0x9070];
	[tilespmem:v24+s22+$0x0] =	vst.idx.msk $0xffff, v21;
	v21 =	vor.u32 v3, v10  }
0x185: {  	s10 =	simm.s32 $0x6;
	v23 =	vld.idx.msk [tilespmem:v22+s21+$0x0], $0xffff  }
0x186: {  	s7 =	simm.s32 $0xA00;
	s8 =	simm.s32 $0xE00;
	s1 =	simm.s32 $0xC00;
	v16 =	vor.u32 v6, v8;
	v24 =	vmov s10;
	v22 =	vor.u32 v2, v11;
	[tilespmem:s2+$0xF030] =	vst v25;
	v14 =	vld [tilespmem:s0+$0x9060]  }
.LBB2_9:
0x187: {  	p0 =	sne.s32 s8, $0x7E00;
	v24 =	vand.u32 $0x7F, v24;
	[tilespmem:v19+s22+$0x0] =	vst.idx.msk $0xffff, v17;
	s9 =	smov.u32 s8;
	s8 =	sadd.s32 $0x200, s8  }
0x188: {  	v25 =	vor.u32 v1, v12;
	v27 =	vor.u32 v5, v9;
	v24 =	vbroadcast v24, $0x0;
	[tilespmem:s4+$0xF020] =	vst v18;
	v26 =	vld [tilespmem:s2+$0x9050]  }
0x189: {  	v28 =	vld.idx.msk [tilespmem:v21+s21+$0x0], $0xffff;
	[tilespmem:v15+s22+$0x0] =	vst.idx.msk $0xffff, v13  }
0x18a: {  	v29 =	vor.u32 v0, v24;
	[tilespmem:s5+$0xF010] =	vst v20;
	v17 =	vld [tilespmem:s4+$0x9040]  }
.Ltmp3:
0x18b: {  	s11 =	sshra.s32 s7, $0x2;
	v19 =	vor.u32 v4, v10;
	s7 =	smov.u32 s1;
	v18 =	vld.idx.msk [tilespmem:v22+s21+$0x0], $0xffff;
	[tilespmem:v16+s22+$0x0] =	vst.idx.msk $0xffff, v14;
	(pc) =	sbr.rel @p0 .LBB2_9-.Ltmp3, $4  }
0x18c: {  	s1 =	smov.u32 s9;
	v15 =	vor.u32 v7, v8;
	v8 =	vmovc v9;
	v9 =	vmovc v10;
	v10 =	vmov v11;
	v11 =	vmov v12;
	[tilespmem:s11+$0xF000] =	vst v23;
	v13 =	vld [tilespmem:s0+$0x9070];
	s0 =	smov.u32 s2;
	s2 =	smov.u32 s4  }
0x18d: {  	v21 =	vor.u32 v3, v10;
	v12 =	vmov v24;
	s4 =	smov.u32 s5;
	s5 =	smov.u32 s11;
	v20 =	vld.idx.msk [tilespmem:v25+s21+$0x0], $0xffff;
	[tilespmem:v27+s22+$0x0] =	vst.idx.msk $0xffff, v26  }
0x18e: {  	s10 =	sadd.s32 $0x1, s10;
	v16 =	vor.u32 v6, v8;
	v14 =	vld [tilespmem:s0+$0x9060]  }
0x18f: {  	v24 =	vmov s10;
	v22 =	vor.u32 v2, v11;
	v23 =	vld.idx.msk [tilespmem:v29+s21+$0x0], $0xffff;
	[tilespmem:s2+$0xF030] =	vst v28  }
0x190: {  	v24 =	vand.u32 $0x7F, v24  }
0x191: {  	v24 =	vbroadcast v24, $0x0;
	_ =	sdelay $0x1  }
0x192: {  	v25 =	vor.u32 v0, v24;
	_ =	sdelay $0x3  }
0x193: {  	v26 =	vor.u32 v1, v12  }
0x194: {  	v25 =	vld.idx.msk [tilespmem:v25+s21+$0x0], $0xffff  }
0x195: {  	v27 =	vor.u32 v1, v24  }
0x196: {  	s10 =	sshra.s32 s7, $0x2  }
0x197: {  	[tilespmem:s10+$0xF000] =	vst v23  }
0x198: {  	s30 =	sshra.s32 s1, $0x2;
	v23 =	vld.idx.msk [tilespmem:v26+s21+$0x0], $0xffff  }
0x199: {  	v61 =	vor.u32 v2, v12;
	[tilespmem:s30+$0xF000] =	vst v25  }
0x19a: {  	v25 =	vld.idx.msk [tilespmem:v27+s21+$0x0], $0xffff  }
0x19b: {  	[tilespmem:s5+$0xF010] =	vst v20;
	v62 =	vor.u32 v2, v24  }
0x19c: {  	v22 =	vld.idx.msk [tilespmem:v22+s21+$0x0], $0xffff  }
0x19d: {  	v63 =	vor.u32 v3, v11;
	[tilespmem:s10+$0xF010] =	vst v23  }
0x19e: {  	[tilespmem:s4+$0xF020] =	vst v18;
	v28 =	vld.idx.msk [tilespmem:v61+s21+$0x0], $0xffff  }
0x19f: {  	v29 =	vor.u32 v3, v12;
	v21 =	vld.idx.msk [tilespmem:v21+s21+$0x0], $0xffff;
	[tilespmem:s30+$0xF010] =	vst v25  }
0x1a0: {  	v20 =	vld.idx.msk [tilespmem:v62+s21+$0x0], $0xffff  }
0x1a1: {  	v30 =	vld [tilespmem:s4+$0x9040];
	v31 =	vor.u32 v4, v10;
	v32 =	vor.u32 v3, v24;
	[tilespmem:s5+$0xF020] =	vst v22  }
0x1a2: {  	[tilespmem:v19+s22+$0x0] =	vst.idx.msk $0xffff, v17;
	v33 =	vld.idx.msk [tilespmem:v63+s21+$0x0], $0xffff  }
0x1a3: {  	v34 =	vld [tilespmem:s5+$0x9040];
	v35 =	vor.u32 v4, v11;
	[tilespmem:s10+$0xF020] =	vst v28  }
0x1a4: {  	[tilespmem:s4+$0xF030] =	vst v21;
	v36 =	vld.idx.msk [tilespmem:v29+s21+$0x0], $0xffff  }
0x1a5: {  	v38 =	vor.u32 v4, v12;
	v37 =	vld [tilespmem:s10+$0x9040];
	[tilespmem:s30+$0xF020] =	vst v20  }
0x1a6: {  	[tilespmem:v31+s22+$0x0] =	vst.idx.msk $0xffff, v30;
	v22 =	vld.idx.msk [tilespmem:v32+s21+$0x0], $0xffff  }
0x1a7: {  	v39 =	vld [tilespmem:s30+$0x9040];
	v40 =	vor.u32 v4, v24;
	[tilespmem:s5+$0xF030] =	vst v33  }
0x1a8: {  	[tilespmem:v35+s22+$0x0] =	vst.idx.msk $0xffff, v34  }
0x1a9: {  	v42 =	vor.u32 v5, v9;
	v41 =	vld [tilespmem:s2+$0x9050];
	[tilespmem:s10+$0xF030] =	vst v36  }
0x1aa: {  	v44 =	vor.u32 v5, v10;
	v43 =	vld [tilespmem:s4+$0x9050];
	[tilespmem:v38+s22+$0x0] =	vst.idx.msk $0xffff, v37  }
0x1ab: {  	v48 =	vor.u32 v5, v12;
	v47 =	vld [tilespmem:s10+$0x9050];
	[tilespmem:s30+$0xF030] =	vst v22  }
0x1ac: {  	v46 =	vor.u32 v5, v11;
	v45 =	vld [tilespmem:s5+$0x9050];
	[tilespmem:v40+s22+$0x0] =	vst.idx.msk $0xffff, v39  }
0x1ad: {  	[tilespmem:v15+s22+$0x0] =	vst.idx.msk $0xffff, v13;
	v50 =	vor.u32 v5, v24;
	v49 =	vld [tilespmem:s30+$0x9050]  }
0x1ae: {  	[tilespmem:v42+s22+$0x0] =	vst.idx.msk $0xffff, v41  }
0x1af: {  	v51 =	vor.u32 v6, v9;
	v18 =	vld [tilespmem:s2+$0x9060];
	[tilespmem:v44+s22+$0x0] =	vst.idx.msk $0xffff, v43  }
0x1b0: {  	v52 =	vor.u32 v6, v10;
	v20 =	vld [tilespmem:s4+$0x9060];
	[tilespmem:v48+s22+$0x0] =	vst.idx.msk $0xffff, v47  }
0x1b1: {  	v55 =	vor.u32 v6, v12;
	[tilespmem:v46+s22+$0x0] =	vst.idx.msk $0xffff, v45;
	v54 =	vld [tilespmem:s10+$0x9060]  }
0x1b2: {  	v53 =	vor.u32 v6, v11;
	v22 =	vld [tilespmem:s5+$0x9060];
	[tilespmem:v50+s22+$0x0] =	vst.idx.msk $0xffff, v49  }
0x1b3: {  	[tilespmem:v16+s22+$0x0] =	vst.idx.msk $0xffff, v14;
	v57 =	vor.u32 v6, v24;
	v56 =	vld [tilespmem:s30+$0x9060]  }
0x1b4: {  	v8 =	vor.u32 v7, v8;
	v16 =	vld [tilespmem:s0+$0x9070];
	[tilespmem:v51+s22+$0x0] =	vst.idx.msk $0xffff, v18  }
0x1b5: {  	v58 =	vor.u32 v7, v9;
	v18 =	vld [tilespmem:s2+$0x9070];
	[tilespmem:v52+s22+$0x0] =	vst.idx.msk $0xffff, v20  }
0x1b6: {  	v60 =	vor.u32 v7, v10;
	v59 =	vld [tilespmem:s4+$0x9070];
	[tilespmem:v55+s22+$0x0] =	vst.idx.msk $0xffff, v54  }
0x1b7: {  	v62 =	vor.u32 v7, v12;
	[tilespmem:v53+s22+$0x0] =	vst.idx.msk $0xffff, v22;
	v13 =	vld [tilespmem:s10+$0x9070]  }
0x1b8: {  	v61 =	vor.u32 v7, v11;
	v17 =	vld [tilespmem:s5+$0x9070];
	[tilespmem:v57+s22+$0x0] =	vst.idx.msk $0xffff, v56  }
0x1b9: {  	s29 =	sadd.s32 $0x1, s29;
	[tilespmem:v8+s22+$0x0] =	vst.idx.msk $0xffff, v16;
	v63 =	vor.u32 v7, v24;
	v8 =	vld [tilespmem:s30+$0x9070]  }
0x1ba: {  	p0 =	sne.s32 s29, $0x18;
	[tilespmem:v58+s22+$0x0] =	vst.idx.msk $0xffff, v18  }
.Ltmp4:
0x1bb: {  	[tilespmem:v60+s22+$0x0] =	vst.idx.msk $0xffff, v59;
	(pc) =	sbr.rel @p0 .LBB2_2-.Ltmp4, $4  }
0x1bc: {  	[tilespmem:v62+s22+$0x0] =	vst.idx.msk $0xffff, v13  }
0x1bd: {  	[tilespmem:v61+s22+$0x0] =	vst.idx.msk $0xffff, v17  }
0x1be: {  	s9 =	simm.s32 $0x400;
	s12 =	simm.s32 $0x18000;
	[tilespmem:v63+s22+$0x0] =	vst.idx.msk $0xffff, v8  }
0x1bf: {  	[hbm4b:s3+s19] =	stream.indirect.scatter [tilespmem:s22], [sflag:$0x6], $0x80, s31, s19, $0xb8;
	[tilespmem:$0x13000] =	vst v63  }
0x1c0: {  	_ =	swait.ge [sflag:s24], $0x4000  }
0x1c1: {  	[sflag:s24] =	ssyncset.done $0x0  }
0x1c2: {  	[sflag:s24] =	ssyncadd.s32 $0xFFFFC000  }
0x1c3: {  	_ =	swait.ge [sflag:s26], $0x4000  }
0x1c4: {  	s1 =	rddreg [dreg:$0x9]  }
0x1c5: {  	s0 =	rddreg [dreg:$0x8];
	s1 =	sadd.s32 $0x1, s1  }
0x1c6: {  	p0 =	sne.s32 s1, s0  }
.Ltmp5:
0x1c7: {  	_ = 	snop;
	(pc) =	sbr.rel @p0 .LBB2_1-.Ltmp5, $3  }
0x1c8: {  	_ =	sdelay $0x1  }
0x1c9: {  	[sflag:s26] =	ssyncset.done $0x0  }
0x1ca: {  	[sflag:s26] =	ssyncadd.s32 $0xFFFFC000  }
0x1cb: {  	_ =	sfence.sel $0x180000  }
0x1cc: {  	[bflag:$0x0] =	sbarrier.arrive $0xFFFF  }
0x1cd: {  	_ =	strace $0x90000047  }
0x1ce: {  	s0 =	stileid.u32;
	[bflag:$0x2] =	sbarrier.arrive $0xFFFF  }
0x1cf: {  	p0 =	sne.s32 s0, $0x0;
	s0 =	rddreg [dreg:$0x3]  }
0x1d0: {  	s0 =	sadd.s32 @!p0 $0x100000, s0  }
0x1d1: {  	[sflag:s0] =	ssyncadd.tile.s32 @!p0 $0x1;
	_ =	shalt  }
.Lfunc_end2:
_tile_overlayer_lowered:
.L_overlay_start_2:
0x1d2: {  	(tag) =	ssettag $0x2  }
0x1d3: {  	s0 =	rddreg [dreg:$0x0];
	s2 =	stileid.u32  }
0x1d4: {  	s1 =	rddreg [dreg:$0x1];
	p0 =	sne.s32 s2, $0x0  }
0x1d5: {  	s3 =	rddreg [dreg:$0x2];
	[bflag:$0x3] =	sbarrier.arrive $0xFFFF;
	s2 =	simm.s32 @!p0 $0x1C07  }
0x1d6: {  	[timem:s3], [sflag:s2] =	dma.local @!p0 [hbm:s0], s1  }
0x1d7: {  	s0 =	simm.s32 @!p0 $0x7  }
0x1d8: {  	_ =	swait.ge @!p0 [sflag:s0], s1  }
0x1d9: {  	s1 =	ssub.s32 @!p0 $0x0, s1;
	[sflag:s0] =	ssyncset.done @!p0 $0x0  }
0x1da: {  	[sflag:s0] =	ssyncadd.s32 @!p0 s1  }
0x1db: {  	[bflag:$0x3] =	sbarrier.arrive $0xFFFF  }
0x1dc: {  	_ =	shalt  }

</sc_bundles>
